<compile_context>
chip_gen: v7x
topology: tpu7x:2x2x1
jax: 0.10.2.dev20260603
libtpu: 0.0.44.dev20260713+nightly
codegen_flags: <defaults>
</compile_context>

<pallas_src>
import functools
import jax
import jax.numpy as jnp
from jax import lax
from jax.experimental import pallas as pl
from jax.experimental.pallas import tpu as pltpu
from jax.experimental.pallas import tpu_sc as plsc

NBITS = 8192
NW = 32
R_SC = 3072
R_TC = NBITS - R_SC
ROWS_PER_W = R_SC // NW
CH = 4
NCH = ROWS_PER_W // CH
BLK = 256
NBLKS = R_TC // BLK

_mesh = plsc.VectorSubcoreMesh(core_axis_name="c", subcore_axis_name="s")


@functools.partial(
    pl.kernel,
    mesh=_mesh,
    out_type=jax.ShapeDtypeStruct((NW * 16,), jnp.float32),
    scratch_types=[
        pltpu.VMEM((CH, NBITS), jnp.float32),
        pltpu.VMEM((CH, NBITS), jnp.float32),
        pltpu.VMEM((16,), jnp.float32),
        pltpu.SemaphoreType.DMA,
        pltpu.SemaphoreType.DMA,
    ],
)
def _sc_probe(w_hbm, out_hbm, buf0, buf1, accv, sem0, sem1):
    wid = lax.axis_index("s") * 2 + lax.axis_index("c")
    base = R_TC + wid * ROWS_PER_W
    bufs = (buf0, buf1)
    sems = (sem0, sem1)
    cps = [None, None]
    cps[0] = pltpu.async_copy(w_hbm.at[pl.ds(base, CH), :], buf0, sem0)
    acc = jnp.zeros((16,), jnp.float32)
    for c in range(NCH):
        cur = c % 2
        nxt = (c + 1) % 2
        if c + 1 < NCH:
            cps[nxt] = pltpu.async_copy(
                w_hbm.at[pl.ds(base + (c + 1) * CH, CH), :], bufs[nxt], sems[nxt]
            )
        cps[cur].wait()
        for r in range(CH):
            acc = acc + bufs[cur][r, 0:16]
    accv[...] = acc
    pltpu.sync_copy(accv, out_hbm.at[pl.ds(wid * 16, 16)])


def _tc_probe_body(x_ref, w_ref, b_ref, o_ref, acc_ref):
    i = pl.program_id(0)
    m = jnp.max(w_ref[...], axis=0, keepdims=True)[:, 0:BLK]
    acc_ref[:, pl.ds(i * BLK, BLK)] = m + x_ref[0, 0] + b_ref[0, 0]

    @pl.when(i == NBLKS - 1)
    def _():
        o_ref[...] = acc_ref[...]


def kernel(x, W, b):
    sc = _sc_probe(W)
    b_row = b[:R_TC].reshape(1, R_TC)
    tc = pl.pallas_call(
        _tc_probe_body,
        grid=(NBLKS,),
        in_specs=[
            pl.BlockSpec((1, NBITS), lambda i: (0, 0)),
            pl.BlockSpec((BLK, NBITS), lambda i: (i, 0)),
            pl.BlockSpec((1, BLK), lambda i: (0, i)),
        ],
        out_specs=pl.BlockSpec((1, R_TC), lambda i: (0, 0)),
        out_shape=jax.ShapeDtypeStruct((1, R_TC), jnp.float32),
        scratch_shapes=[pltpu.VMEM((1, R_TC), jnp.float32)],
    )(x, W, b_row)
    o = jnp.zeros((1, NBITS), jnp.float32)
    o = o.at[0, 0:R_TC].set(tc[0])
    return o.at[0, 0 : NW * 16].add(sc)

# --- scband reference (transcript-rebuilt; emitter-appended) ---
"""Pipeline reference for scband-fc-8349416424071 (READ-ONLY COPY).

The authoritative reference and input builder live on the scoring server;
editing this copy changes nothing except your own understanding.
"""

import jax, jax.numpy as jnp
import numpy as np

NUM_BITS = 8192
NUM_ON_BITS = 10

def setup_inputs(seed: int = 0) -> dict:
    key = jax.random.key(seed)
    k1, k2, k3 = jax.random.split(key, 3)
    x = jax.random.normal(k1, (1, NUM_BITS), dtype=jnp.float32)
    bound = 1.0 / np.sqrt(NUM_BITS)
    W = jax.random.uniform(k2, (NUM_BITS, NUM_BITS), minval=-bound, maxval=bound, dtype=jnp.float32)
    b = jax.random.uniform(k3, (NUM_BITS,), minval=-bound, maxval=bound, dtype=jnp.float32)
    return {"x": x, "W": W, "b": b}

def reference(x, W, b):
    # out = self.fc(x)
    out = x @ W.T + b
    # topval = out.topk(numOnBits, dim=1)[0][:, -1]  -> shape [B]
    topval = jax.lax.top_k(out, NUM_ON_BITS)[0][:, -1]
    # comp = out >= topval  (torch trailing-dim broadcast; valid since B == 1)
    comp = (out >= topval).astype(out.dtype)
    return comp * out

if __name__ == "__main__":
    import jax
    _d = setup_inputs()
    print(jax.jit(kernel)(*tuple(_d.values())))

</pallas_src>

<mosaic_0001>
#map = affine_map<(d0, d1) -> (0, 0)>
#map1 = affine_map<(d0, d1) -> (0)>
module attributes {stable_mosaic.version = 14 : i64} {
  func.func @_sc_probe(%arg0: i32, %arg1: i32, %arg2: memref<8192x8192xf32, #tpu.memory_space<hbm>>, %arg3: memref<512xf32, #tpu.memory_space<hbm>>, %arg4: memref<4x8192xf32, #tpu.memory_space<vmem>>, %arg5: memref<4x8192xf32, #tpu.memory_space<vmem>>, %arg6: memref<16xf32, #tpu.memory_space<vmem>>, %arg7: memref<!tpu.dma_semaphore, #tpu.memory_space<semaphore_mem>>, %arg8: memref<!tpu.dma_semaphore, #tpu.memory_space<semaphore_mem>>) attributes {dimension_semantics = [#tpu.dimension_semantics<core_parallel>, #tpu.dimension_semantics<subcore_parallel>], iteration_bounds = array<i64: 2, 16>, scalar_prefetch = 0 : i64, scratch_operands = 5 : i64, tpu.core_type = #tpu.core_type<sc_vector_subcore>, window_params = [{transform_indices = #map}, {transform_indices = #map1}]} {
    %mul3A = arith.constant 2 : i32
    %mul3A_0 = arith.muli %arg1, %mul3A : i32
    %add3A = arith.addi %mul3A_0, %arg0 : i32
    %mul3A_1 = arith.constant 96 : i32
    %mul3A_2 = arith.muli %add3A, %mul3A_1 : i32
    %add3A_3 = arith.constant 5120 : i32
    %add3A_4 = arith.addi %add3A_3, %mul3A_2 : i32
    %dma_start3A = arith.constant 0 : i32
    %dma_start3A_5 = tpu.memref_slice %arg2[%add3A_4, %dma_start3A] : memref<8192x8192xf32, #tpu.memory_space<hbm>> -> memref<4x8192xf32, #tpu.memory_space<hbm>>
    %dma_start3A_6 = arith.constant 0 : i32
    %dma_start3A_7 = tpu.memref_slice %arg2[%add3A_4, %dma_start3A_6] : memref<8192x8192xf32, #tpu.memory_space<hbm>> -> memref<4x8192xf32, #tpu.memory_space<hbm>>
    tpu.enqueue_dma source(%dma_start3A_7 : memref<4x8192xf32, #tpu.memory_space<hbm>>) target(%arg4 : memref<4x8192xf32, #tpu.memory_space<vmem>>) target_semaphore(%arg7 : memref<!tpu.dma_semaphore, #tpu.memory_space<semaphore_mem>>)
    %broadcast_in_dim3A = arith.constant 0.000000e+00 : f32
    %broadcast_in_dim3A_8 = vector.broadcast %broadcast_in_dim3A : f32 to vector<16xf32>
    %add3A_9 = arith.constant 4 : i32
    %add3A_10 = arith.addi %add3A_4, %add3A_9 : i32
    %dma_start3A_11 = arith.constant 0 : i32
    %dma_start3A_12 = tpu.memref_slice %arg2[%add3A_10, %dma_start3A_11] : memref<8192x8192xf32, #tpu.memory_space<hbm>> -> memref<4x8192xf32, #tpu.memory_space<hbm>>
    %dma_start3A_13 = arith.constant 0 : i32
    %dma_start3A_14 = tpu.memref_slice %arg2[%add3A_10, %dma_start3A_13] : memref<8192x8192xf32, #tpu.memory_space<hbm>> -> memref<4x8192xf32, #tpu.memory_space<hbm>>
    tpu.enqueue_dma source(%dma_start3A_14 : memref<4x8192xf32, #tpu.memory_space<hbm>>) target(%arg5 : memref<4x8192xf32, #tpu.memory_space<vmem>>) target_semaphore(%arg8 : memref<!tpu.dma_semaphore, #tpu.memory_space<semaphore_mem>>)
    %dma_wait3A = arith.constant 0 : i32
    %dma_wait3A_15 = tpu.memref_slice %arg2[%add3A_4, %dma_wait3A] : memref<8192x8192xf32, #tpu.memory_space<hbm>> -> memref<4x8192xf32, #tpu.memory_space<hbm>>
    %dma_wait3A_16 = arith.constant 0 : i32
    %dma_wait3A_17 = tpu.memref_slice %arg2[%add3A_4, %dma_wait3A_16] : memref<8192x8192xf32, #tpu.memory_space<hbm>> -> memref<4x8192xf32, #tpu.memory_space<hbm>>
    tpu.wait_dma2 semaphore(%arg7 : memref<!tpu.dma_semaphore, #tpu.memory_space<semaphore_mem>>) src(%dma_wait3A_17 : memref<4x8192xf32, #tpu.memory_space<hbm>>) dst(%arg4 : memref<4x8192xf32, #tpu.memory_space<vmem>>)
    %get3A = arith.constant 0 : i32
    %get3A_18 = arith.index_cast %get3A : i32 to index
    %get3A_19 = arith.constant 0 : index
    %get3A_20 = tpu.vector_load %arg4[%get3A_18, %get3A_19] {strides = array<i32>} : memref<4x8192xf32, #tpu.memory_space<vmem>>, vector<1x16xf32>,
    %get3A_21 = vector.shape_cast %get3A_20 : vector<1x16xf32> to vector<16xf32>
    %add3A_22 = arith.addf %broadcast_in_dim3A_8, %get3A_21 : vector<16xf32>
    %get3A_23 = arith.constant 1 : i32
    %get3A_24 = arith.index_cast %get3A_23 : i32 to index
    %get3A_25 = arith.constant 0 : index
    %get3A_26 = tpu.vector_load %arg4[%get3A_24, %get3A_25] {strides = array<i32>} : memref<4x8192xf32, #tpu.memory_space<vmem>>, vector<1x16xf32>,
    %get3A_27 = vector.shape_cast %get3A_26 : vector<1x16xf32> to vector<16xf32>
    %add3A_28 = arith.addf %add3A_22, %get3A_27 : vector<16xf32>
    %get3A_29 = arith.constant 2 : i32
    %get3A_30 = arith.index_cast %get3A_29 : i32 to index
    %get3A_31 = arith.constant 0 : index
    %get3A_32 = tpu.vector_load %arg4[%get3A_30, %get3A_31] {strides = array<i32>} : memref<4x8192xf32, #tpu.memory_space<vmem>>, vector<1x16xf32>,
    %get3A_33 = vector.shape_cast %get3A_32 : vector<1x16xf32> to vector<16xf32>
    %add3A_34 = arith.addf %add3A_28, %get3A_33 : vector<16xf32>
    %get3A_35 = arith.constant 3 : i32
    %get3A_36 = arith.index_cast %get3A_35 : i32 to index
    %get3A_37 = arith.constant 0 : index
    %get3A_38 = tpu.vector_load %arg4[%get3A_36, %get3A_37] {strides = array<i32>} : memref<4x8192xf32, #tpu.memory_space<vmem>>, vector<1x16xf32>,
    %get3A_39 = vector.shape_cast %get3A_38 : vector<1x16xf32> to vector<16xf32>
    %add3A_40 = arith.addf %add3A_34, %get3A_39 : vector<16xf32>
    %add3A_41 = arith.constant 8 : i32
    %add3A_42 = arith.addi %add3A_4, %add3A_41 : i32
    %dma_start3A_43 = arith.constant 0 : i32
    %dma_start3A_44 = tpu.memref_slice %arg2[%add3A_42, %dma_start3A_43] : memref<8192x8192xf32, #tpu.memory_space<hbm>> -> memref<4x8192xf32, #tpu.memory_space<hbm>>
    %dma_start3A_45 = arith.constant 0 : i32
    %dma_start3A_46 = tpu.memref_slice %arg2[%add3A_42, %dma_start3A_45] : memref<8192x8192xf32, #tpu.memory_space<hbm>> -> memref<4x8192xf32, #tpu.memory_space<hbm>>
    tpu.enqueue_dma source(%dma_start3A_46 : memref<4x8192xf32, #tpu.memory_space<hbm>>) target(%arg4 : memref<4x8192xf32, #tpu.memory_space<vmem>>) target_semaphore(%arg7 : memref<!tpu.dma_semaphore, #tpu.memory_space<semaphore_mem>>)
    %dma_wait3A_47 = arith.constant 0 : i32
    %dma_wait3A_48 = tpu.memref_slice %arg2[%add3A_10, %dma_wait3A_47] : memref<8192x8192xf32, #tpu.memory_space<hbm>> -> memref<4x8192xf32, #tpu.memory_space<hbm>>
    %dma_wait3A_49 = arith.constant 0 : i32
    %dma_wait3A_50 = tpu.memref_slice %arg2[%add3A_10, %dma_wait3A_49] : memref<8192x8192xf32, #tpu.memory_space<hbm>> -> memref<4x8192xf32, #tpu.memory_space<hbm>>
    tpu.wait_dma2 semaphore(%arg8 : memref<!tpu.dma_semaphore, #tpu.memory_space<semaphore_mem>>) src(%dma_wait3A_50 : memref<4x8192xf32, #tpu.memory_space<hbm>>) dst(%arg5 : memref<4x8192xf32, #tpu.memory_space<vmem>>)
    %get3A_51 = arith.constant 0 : i32
    %get3A_52 = arith.index_cast %get3A_51 : i32 to index
    %get3A_53 = arith.constant 0 : index
    %get3A_54 = tpu.vector_load %arg5[%get3A_52, %get3A_53] {strides = array<i32>} : memref<4x8192xf32, #tpu.memory_space<vmem>>, vector<1x16xf32>,
    %get3A_55 = vector.shape_cast %get3A_54 : vector<1x16xf32> to vector<16xf32>
    %add3A_56 = arith.addf %add3A_40, %get3A_55 : vector<16xf32>
    %get3A_57 = arith.constant 1 : i32
    %get3A_58 = arith.index_cast %get3A_57 : i32 to index
    %get3A_59 = arith.constant 0 : index
    %get3A_60 = tpu.vector_load %arg5[%get3A_58, %get3A_59] {strides = array<i32>} : memref<4x8192xf32, #tpu.memory_space<vmem>>, vector<1x16xf32>,
    %get3A_61 = vector.shape_cast %get3A_60 : vector<1x16xf32> to vector<16xf32>
    %add3A_62 = arith.addf %add3A_56, %get3A_61 : vector<16xf32>
    %get3A_63 = arith.constant 2 : i32
    %get3A_64 = arith.index_cast %get3A_63 : i32 to index
    %get3A_65 = arith.constant 0 : index
    %get3A_66 = tpu.vector_load %arg5[%get3A_64, %get3A_65] {strides = array<i32>} : memref<4x8192xf32, #tpu.memory_space<vmem>>, vector<1x16xf32>,
    %get3A_67 = vector.shape_cast %get3A_66 : vector<1x16xf32> to vector<16xf32>
    %add3A_68 = arith.addf %add3A_62, %get3A_67 : vector<16xf32>
    %get3A_69 = arith.constant 3 : i32
    %get3A_70 = arith.index_cast %get3A_69 : i32 to index
    %get3A_71 = arith.constant 0 : index
    %get3A_72 = tpu.vector_load %arg5[%get3A_70, %get3A_71] {strides = array<i32>} : memref<4x8192xf32, #tpu.memory_space<vmem>>, vector<1x16xf32>,
    %get3A_73 = vector.shape_cast %get3A_72 : vector<1x16xf32> to vector<16xf32>
    %add3A_74 = arith.addf %add3A_68, %get3A_73 : vector<16xf32>
    %add3A_75 = arith.constant 12 : i32
    %add3A_76 = arith.addi %add3A_4, %add3A_75 : i32
    %dma_start3A_77 = arith.constant 0 : i32
    %dma_start3A_78 = tpu.memref_slice %arg2[%add3A_76, %dma_start3A_77] : memref<8192x8192xf32, #tpu.memory_space<hbm>> -> memref<4x8192xf32, #tpu.memory_space<hbm>>
    %dma_start3A_79 = arith.constant 0 : i32
    %dma_start3A_80 = tpu.memref_slice %arg2[%add3A_76, %dma_start3A_79] : memref<8192x8192xf32, #tpu.memory_space<hbm>> -> memref<4x8192xf32, #tpu.memory_space<hbm>>
    tpu.enqueue_dma source(%dma_start3A_80 : memref<4x8192xf32, #tpu.memory_space<hbm>>) target(%arg5 : memref<4x8192xf32, #tpu.memory_space<vmem>>) target_semaphore(%arg8 : memref<!tpu.dma_semaphore, #tpu.memory_space<semaphore_mem>>)
    %dma_wait3A_81 = arith.constant 0 : i32
    %dma_wait3A_82 = tpu.memref_slice %arg2[%add3A_42, %dma_wait3A_81] : memref<8192x8192xf32, #tpu.memory_space<hbm>> -> memref<4x8192xf32, #tpu.memory_space<hbm>>
    %dma_wait3A_83 = arith.constant 0 : i32
    %dma_wait3A_84 = tpu.memref_slice %arg2[%add3A_42, %dma_wait3A_83] : memref<8192x8192xf32, #tpu.memory_space<hbm>> -> memref<4x8192xf32, #tpu.memory_space<hbm>>
    tpu.wait_dma2 semaphore(%arg7 : memref<!tpu.dma_semaphore, #tpu.memory_space<semaphore_mem>>) src(%dma_wait3A_84 : memref<4x8192xf32, #tpu.memory_space<hbm>>) dst(%arg4 : memref<4x8192xf32, #tpu.memory_space<vmem>>)
    %get3A_85 = arith.constant 0 : i32
    %get3A_86 = arith.index_cast %get3A_85 : i32 to index
    %get3A_87 = arith.constant 0 : index
    %get3A_88 = tpu.vector_load %arg4[%get3A_86, %get3A_87] {strides = array<i32>} : memref<4x8192xf32, #tpu.memory_space<vmem>>, vector<1x16xf32>,
    %get3A_89 = vector.shape_cast %get3A_88 : vector<1x16xf32> to vector<16xf32>
    %add3A_90 = arith.addf %add3A_74, %get3A_89 : vector<16xf32>
    %get3A_91 = arith.constant 1 : i32
    %get3A_92 = arith.index_cast %get3A_91 : i32 to index
    %get3A_93 = arith.constant 0 : index
    %get3A_94 = tpu.vector_load %arg4[%get3A_92, %get3A_93] {strides = array<i32>} : memref<4x8192xf32, #tpu.memory_space<vmem>>, vector<1x16xf32>,
    %get3A_95 = vector.shape_cast %get3A_94 : vector<1x16xf32> to vector<16xf32>
    %add3A_96 = arith.addf %add3A_90, %get3A_95 : vector<16xf32>
    %get3A_97 = arith.constant 2 : i32
    %get3A_98 = arith.index_cast %get3A_97 : i32 to index
    %get3A_99 = arith.constant 0 : index
    %get3A_100 = tpu.vector_load %arg4[%get3A_98, %get3A_99] {strides = array<i32>} : memref<4x8192xf32, #tpu.memory_space<vmem>>, vector<1x16xf32>,
    %get3A_101 = vector.shape_cast %get3A_100 : vector<1x16xf32> to vector<16xf32>
    %add3A_102 = arith.addf %add3A_96, %get3A_101 : vector<16xf32>
    %get3A_103 = arith.constant 3 : i32
    %get3A_104 = arith.index_cast %get3A_103 : i32 to index
    %get3A_105 = arith.constant 0 : index
    %get3A_106 = tpu.vector_load %arg4[%get3A_104, %get3A_105] {strides = array<i32>} : memref<4x8192xf32, #tpu.memory_space<vmem>>, vector<1x16xf32>,
    %get3A_107 = vector.shape_cast %get3A_106 : vector<1x16xf32> to vector<16xf32>
    %add3A_108 = arith.addf %add3A_102, %get3A_107 : vector<16xf32>
    %add3A_109 = arith.constant 16 : i32
    %add3A_110 = arith.addi %add3A_4, %add3A_109 : i32
    %dma_start3A_111 = arith.constant 0 : i32
    %dma_start3A_112 = tpu.memref_slice %arg2[%add3A_110, %dma_start3A_111] : memref<8192x8192xf32, #tpu.memory_space<hbm>> -> memref<4x8192xf32, #tpu.memory_space<hbm>>
    %dma_start3A_113 = arith.constant 0 : i32
    %dma_start3A_114 = tpu.memref_slice %arg2[%add3A_110, %dma_start3A_113] : memref<8192x8192xf32, #tpu.memory_space<hbm>> -> memref<4x8192xf32, #tpu.memory_space<hbm>>
    tpu.enqueue_dma source(%dma_start3A_114 : memref<4x8192xf32, #tpu.memory_space<hbm>>) target(%arg4 : memref<4x8192xf32, #tpu.memory_space<vmem>>) target_semaphore(%arg7 : memref<!tpu.dma_semaphore, #tpu.memory_space<semaphore_mem>>)
    %dma_wait3A_115 = arith.constant 0 : i32
    %dma_wait3A_116 = tpu.memref_slice %arg2[%add3A_76, %dma_wait3A_115] : memref<8192x8192xf32, #tpu.memory_space<hbm>> -> memref<4x8192xf32, #tpu.memory_space<hbm>>
    %dma_wait3A_117 = arith.constant 0 : i32
    %dma_wait3A_118 = tpu.memref_slice %arg2[%add3A_76, %dma_wait3A_117] : memref<8192x8192xf32, #tpu.memory_space<hbm>> -> memref<4x8192xf32, #tpu.memory_space<hbm>>
    tpu.wait_dma2 semaphore(%arg8 : memref<!tpu.dma_semaphore, #tpu.memory_space<semaphore_mem>>) src(%dma_wait3A_118 : memref<4x8192xf32, #tpu.memory_space<hbm>>) dst(%arg5 : memref<4x8192xf32, #tpu.memory_space<vmem>>)
    %get3A_119 = arith.constant 0 : i32
    %get3A_120 = arith.index_cast %get3A_119 : i32 to index
    %get3A_121 = arith.constant 0 : index
    %get3A_122 = tpu.vector_load %arg5[%get3A_120, %get3A_121] {strides = array<i32>} : memref<4x8192xf32, #tpu.memory_space<vmem>>, vector<1x16xf32>,
    %get3A_123 = vector.shape_cast %get3A_122 : vector<1x16xf32> to vector<16xf32>
    %add3A_124 = arith.addf %add3A_108, %get3A_123 : vector<16xf32>
    %get3A_125 = arith.constant 1 : i32
    %get3A_126 = arith.index_cast %get3A_125 : i32 to index
    %get3A_127 = arith.constant 0 : index
    %get3A_128 = tpu.vector_load %arg5[%get3A_126, %get3A_127] {strides = array<i32>} : memref<4x8192xf32, #tpu.memory_space<vmem>>, vector<1x16xf32>,
    %get3A_129 = vector.shape_cast %get3A_128 : vector<1x16xf32> to vector<16xf32>
    %add3A_130 = arith.addf %add3A_124, %get3A_129 : vector<16xf32>
    %get3A_131 = arith.constant 2 : i32
    %get3A_132 = arith.index_cast %get3A_131 : i32 to index
    %get3A_133 = arith.constant 0 : index
    %get3A_134 = tpu.vector_load %arg5[%get3A_132, %get3A_133] {strides = array<i32>} : memref<4x8192xf32, #tpu.memory_space<vmem>>, vector<1x16xf32>,
    %get3A_135 = vector.shape_cast %get3A_134 : vector<1x16xf32> to vector<16xf32>
    %add3A_136 = arith.addf %add3A_130, %get3A_135 : vector<16xf32>
    %get3A_137 = arith.constant 3 : i32
    %get3A_138 = arith.index_cast %get3A_137 : i32 to index
    %get3A_139 = arith.constant 0 : index
    %get3A_140 = tpu.vector_load %arg5[%get3A_138, %get3A_139] {strides = array<i32>} : memref<4x8192xf32, #tpu.memory_space<vmem>>, vector<1x16xf32>,
    %get3A_141 = vector.shape_cast %get3A_140 : vector<1x16xf32> to vector<16xf32>
    %add3A_142 = arith.addf %add3A_136, %get3A_141 : vector<16xf32>
    %add3A_143 = arith.constant 20 : i32
    %add3A_144 = arith.addi %add3A_4, %add3A_143 : i32
    %dma_start3A_145 = arith.constant 0 : i32
    %dma_start3A_146 = tpu.memref_slice %arg2[%add3A_144, %dma_start3A_145] : memref<8192x8192xf32, #tpu.memory_space<hbm>> -> memref<4x8192xf32, #tpu.memory_space<hbm>>
    %dma_start3A_147 = arith.constant 0 : i32
    %dma_start3A_148 = tpu.memref_slice %arg2[%add3A_144, %dma_start3A_147] : memref<8192x8192xf32, #tpu.memory_space<hbm>> -> memref<4x8192xf32, #tpu.memory_space<hbm>>
    tpu.enqueue_dma source(%dma_start3A_148 : memref<4x8192xf32, #tpu.memory_space<hbm>>) target(%arg5 : memref<4x8192xf32, #tpu.memory_space<vmem>>) target_semaphore(%arg8 : memref<!tpu.dma_semaphore, #tpu.memory_space<semaphore_mem>>)
    %dma_wait3A_149 = arith.constant 0 : i32
    %dma_wait3A_150 = tpu.memref_slice %arg2[%add3A_110, %dma_wait3A_149] : memref<8192x8192xf32, #tpu.memory_space<hbm>> -> memref<4x8192xf32, #tpu.memory_space<hbm>>
    %dma_wait3A_151 = arith.constant 0 : i32
    %dma_wait3A_152 = tpu.memref_slice %arg2[%add3A_110, %dma_wait3A_151] : memref<8192x8192xf32, #tpu.memory_space<hbm>> -> memref<4x8192xf32, #tpu.memory_space<hbm>>
    tpu.wait_dma2 semaphore(%arg7 : memref<!tpu.dma_semaphore, #tpu.memory_space<semaphore_mem>>) src(%dma_wait3A_152 : memref<4x8192xf32, #tpu.memory_space<hbm>>) dst(%arg4 : memref<4x8192xf32, #tpu.memory_space<vmem>>)
    %get3A_153 = arith.constant 0 : i32
    %get3A_154 = arith.index_cast %get3A_153 : i32 to index
    %get3A_155 = arith.constant 0 : index
    %get3A_156 = tpu.vector_load %arg4[%get3A_154, %get3A_155] {strides = array<i32>} : memref<4x8192xf32, #tpu.memory_space<vmem>>, vector<1x16xf32>,
    %get3A_157 = vector.shape_cast %get3A_156 : vector<1x16xf32> to vector<16xf32>
    %add3A_158 = arith.addf %add3A_142, %get3A_157 : vector<16xf32>
    %get3A_159 = arith.constant 1 : i32
    %get3A_160 = arith.index_cast %get3A_159 : i32 to index
    %get3A_161 = arith.constant 0 : index
    %get3A_162 = tpu.vector_load %arg4[%get3A_160, %get3A_161] {strides = array<i32>} : memref<4x8192xf32, #tpu.memory_space<vmem>>, vector<1x16xf32>,
    %get3A_163 = vector.shape_cast %get3A_162 : vector<1x16xf32> to vector<16xf32>
    %add3A_164 = arith.addf %add3A_158, %get3A_163 : vector<16xf32>
    %get3A_165 = arith.constant 2 : i32
    %get3A_166 = arith.index_cast %get3A_165 : i32 to index
    %get3A_167 = arith.constant 0 : index
    %get3A_168 = tpu.vector_load %arg4[%get3A_166, %get3A_167] {strides = array<i32>} : memref<4x8192xf32, #tpu.memory_space<vmem>>, vector<1x16xf32>,
    %get3A_169 = vector.shape_cast %get3A_168 : vector<1x16xf32> to vector<16xf32>
    %add3A_170 = arith.addf %add3A_164, %get3A_169 : vector<16xf32>
    %get3A_171 = arith.constant 3 : i32
    %get3A_172 = arith.index_cast %get3A_171 : i32 to index
    %get3A_173 = arith.constant 0 : index
    %get3A_174 = tpu.vector_load %arg4[%get3A_172, %get3A_173] {strides = array<i32>} : memref<4x8192xf32, #tpu.memory_space<vmem>>, vector<1x16xf32>,
    %get3A_175 = vector.shape_cast %get3A_174 : vector<1x16xf32> to vector<16xf32>
    %add3A_176 = arith.addf %add3A_170, %get3A_175 : vector<16xf32>
    %add3A_177 = arith.constant 24 : i32
    %add3A_178 = arith.addi %add3A_4, %add3A_177 : i32
    %dma_start3A_179 = arith.constant 0 : i32
    %dma_start3A_180 = tpu.memref_slice %arg2[%add3A_178, %dma_start3A_179] : memref<8192x8192xf32, #tpu.memory_space<hbm>> -> memref<4x8192xf32, #tpu.memory_space<hbm>>
    %dma_start3A_181 = arith.constant 0 : i32
    %dma_start3A_182 = tpu.memref_slice %arg2[%add3A_178, %dma_start3A_181] : memref<8192x8192xf32, #tpu.memory_space<hbm>> -> memref<4x8192xf32, #tpu.memory_space<hbm>>
    tpu.enqueue_dma source(%dma_start3A_182 : memref<4x8192xf32, #tpu.memory_space<hbm>>) target(%arg4 : memref<4x8192xf32, #tpu.memory_space<vmem>>) target_semaphore(%arg7 : memref<!tpu.dma_semaphore, #tpu.memory_space<semaphore_mem>>)
    %dma_wait3A_183 = arith.constant 0 : i32
    %dma_wait3A_184 = tpu.memref_slice %arg2[%add3A_144, %dma_wait3A_183] : memref<8192x8192xf32, #tpu.memory_space<hbm>> -> memref<4x8192xf32, #tpu.memory_space<hbm>>
    %dma_wait3A_185 = arith.constant 0 : i32
    %dma_wait3A_186 = tpu.memref_slice %arg2[%add3A_144, %dma_wait3A_185] : memref<8192x8192xf32, #tpu.memory_space<hbm>> -> memref<4x8192xf32, #tpu.memory_space<hbm>>
    tpu.wait_dma2 semaphore(%arg8 : memref<!tpu.dma_semaphore, #tpu.memory_space<semaphore_mem>>) src(%dma_wait3A_186 : memref<4x8192xf32, #tpu.memory_space<hbm>>) dst(%arg5 : memref<4x8192xf32, #tpu.memory_space<vmem>>)
    %get3A_187 = arith.constant 0 : i32
    %get3A_188 = arith.index_cast %get3A_187 : i32 to index
    %get3A_189 = arith.constant 0 : index
    %get3A_190 = tpu.vector_load %arg5[%get3A_188, %get3A_189] {strides = array<i32>} : memref<4x8192xf32, #tpu.memory_space<vmem>>, vector<1x16xf32>,
    %get3A_191 = vector.shape_cast %get3A_190 : vector<1x16xf32> to vector<16xf32>
    %add3A_192 = arith.addf %add3A_176, %get3A_191 : vector<16xf32>
    %get3A_193 = arith.constant 1 : i32
    %get3A_194 = arith.index_cast %get3A_193 : i32 to index
    %get3A_195 = arith.constant 0 : index
    %get3A_196 = tpu.vector_load %arg5[%get3A_194, %get3A_195] {strides = array<i32>} : memref<4x8192xf32, #tpu.memory_space<vmem>>, vector<1x16xf32>,
    %get3A_197 = vector.shape_cast %get3A_196 : vector<1x16xf32> to vector<16xf32>
    %add3A_198 = arith.addf %add3A_192, %get3A_197 : vector<16xf32>
    %get3A_199 = arith.constant 2 : i32
    %get3A_200 = arith.index_cast %get3A_199 : i32 to index
    %get3A_201 = arith.constant 0 : index
    %get3A_202 = tpu.vector_load %arg5[%get3A_200, %get3A_201] {strides = array<i32>} : memref<4x8192xf32, #tpu.memory_space<vmem>>, vector<1x16xf32>,
    %get3A_203 = vector.shape_cast %get3A_202 : vector<1x16xf32> to vector<16xf32>
    %add3A_204 = arith.addf %add3A_198, %get3A_203 : vector<16xf32>
    %get3A_205 = arith.constant 3 : i32
    %get3A_206 = arith.index_cast %get3A_205 : i32 to index
    %get3A_207 = arith.constant 0 : index
    %get3A_208 = tpu.vector_load %arg5[%get3A_206, %get3A_207] {strides = array<i32>} : memref<4x8192xf32, #tpu.memory_space<vmem>>, vector<1x16xf32>,
    %get3A_209 = vector.shape_cast %get3A_208 : vector<1x16xf32> to vector<16xf32>
    %add3A_210 = arith.addf %add3A_204, %get3A_209 : vector<16xf32>
    %add3A_211 = arith.constant 28 : i32
    %add3A_212 = arith.addi %add3A_4, %add3A_211 : i32
    %dma_start3A_213 = arith.constant 0 : i32
    %dma_start3A_214 = tpu.memref_slice %arg2[%add3A_212, %dma_start3A_213] : memref<8192x8192xf32, #tpu.memory_space<hbm>> -> memref<4x8192xf32, #tpu.memory_space<hbm>>
    %dma_start3A_215 = arith.constant 0 : i32
    %dma_start3A_216 = tpu.memref_slice %arg2[%add3A_212, %dma_start3A_215] : memref<8192x8192xf32, #tpu.memory_space<hbm>> -> memref<4x8192xf32, #tpu.memory_space<hbm>>
    tpu.enqueue_dma source(%dma_start3A_216 : memref<4x8192xf32, #tpu.memory_space<hbm>>) target(%arg5 : memref<4x8192xf32, #tpu.memory_space<vmem>>) target_semaphore(%arg8 : memref<!tpu.dma_semaphore, #tpu.memory_space<semaphore_mem>>)
    %dma_wait3A_217 = arith.constant 0 : i32
    %dma_wait3A_218 = tpu.memref_slice %arg2[%add3A_178, %dma_wait3A_217] : memref<8192x8192xf32, #tpu.memory_space<hbm>> -> memref<4x8192xf32, #tpu.memory_space<hbm>>
    %dma_wait3A_219 = arith.constant 0 : i32
    %dma_wait3A_220 = tpu.memref_slice %arg2[%add3A_178, %dma_wait3A_219] : memref<8192x8192xf32, #tpu.memory_space<hbm>> -> memref<4x8192xf32, #tpu.memory_space<hbm>>
    tpu.wait_dma2 semaphore(%arg7 : memref<!tpu.dma_semaphore, #tpu.memory_space<semaphore_mem>>) src(%dma_wait3A_220 : memref<4x8192xf32, #tpu.memory_space<hbm>>) dst(%arg4 : memref<4x8192xf32, #tpu.memory_space<vmem>>)
    %get3A_221 = arith.constant 0 : i32
    %get3A_222 = arith.index_cast %get3A_221 : i32 to index
    %get3A_223 = arith.constant 0 : index
    %get3A_224 = tpu.vector_load %arg4[%get3A_222, %get3A_223] {strides = array<i32>} : memref<4x8192xf32, #tpu.memory_space<vmem>>, vector<1x16xf32>,
    %get3A_225 = vector.shape_cast %get3A_224 : vector<1x16xf32> to vector<16xf32>
    %add3A_226 = arith.addf %add3A_210, %get3A_225 : vector<16xf32>
    %get3A_227 = arith.constant 1 : i32
    %get3A_228 = arith.index_cast %get3A_227 : i32 to index
    %get3A_229 = arith.constant 0 : index
    %get3A_230 = tpu.vector_load %arg4[%get3A_228, %get3A_229] {strides = array<i32>} : memref<4x8192xf32, #tpu.memory_space<vmem>>, vector<1x16xf32>,
    %get3A_231 = vector.shape_cast %get3A_230 : vector<1x16xf32> to vector<16xf32>
    %add3A_232 = arith.addf %add3A_226, %get3A_231 : vector<16xf32>
    %get3A_233 = arith.constant 2 : i32
    %get3A_234 = arith.index_cast %get3A_233 : i32 to index
    %get3A_235 = arith.constant 0 : index
    %get3A_236 = tpu.vector_load %arg4[%get3A_234, %get3A_235] {strides = array<i32>} : memref<4x8192xf32, #tpu.memory_space<vmem>>, vector<1x16xf32>,
    %get3A_237 = vector.shape_cast %get3A_236 : vector<1x16xf32> to vector<16xf32>
    %add3A_238 = arith.addf %add3A_232, %get3A_237 : vector<16xf32>
    %get3A_239 = arith.constant 3 : i32
    %get3A_240 = arith.index_cast %get3A_239 : i32 to index
    %get3A_241 = arith.constant 0 : index
    %get3A_242 = tpu.vector_load %arg4[%get3A_240, %get3A_241] {strides = array<i32>} : memref<4x8192xf32, #tpu.memory_space<vmem>>, vector<1x16xf32>,
    %get3A_243 = vector.shape_cast %get3A_242 : vector<1x16xf32> to vector<16xf32>
    %add3A_244 = arith.addf %add3A_238, %get3A_243 : vector<16xf32>
    %add3A_245 = arith.constant 32 : i32
    %add3A_246 = arith.addi %add3A_4, %add3A_245 : i32
    %dma_start3A_247 = arith.constant 0 : i32
    %dma_start3A_248 = tpu.memref_slice %arg2[%add3A_246, %dma_start3A_247] : memref<8192x8192xf32, #tpu.memory_space<hbm>> -> memref<4x8192xf32, #tpu.memory_space<hbm>>
    %dma_start3A_249 = arith.constant 0 : i32
    %dma_start3A_250 = tpu.memref_slice %arg2[%add3A_246, %dma_start3A_249] : memref<8192x8192xf32, #tpu.memory_space<hbm>> -> memref<4x8192xf32, #tpu.memory_space<hbm>>
    tpu.enqueue_dma source(%dma_start3A_250 : memref<4x8192xf32, #tpu.memory_space<hbm>>) target(%arg4 : memref<4x8192xf32, #tpu.memory_space<vmem>>) target_semaphore(%arg7 : memref<!tpu.dma_semaphore, #tpu.memory_space<semaphore_mem>>)
    %dma_wait3A_251 = arith.constant 0 : i32
    %dma_wait3A_252 = tpu.memref_slice %arg2[%add3A_212, %dma_wait3A_251] : memref<8192x8192xf32, #tpu.memory_space<hbm>> -> memref<4x8192xf32, #tpu.memory_space<hbm>>
    %dma_wait3A_253 = arith.constant 0 : i32
    %dma_wait3A_254 = tpu.memref_slice %arg2[%add3A_212, %dma_wait3A_253] : memref<8192x8192xf32, #tpu.memory_space<hbm>> -> memref<4x8192xf32, #tpu.memory_space<hbm>>
    tpu.wait_dma2 semaphore(%arg8 : memref<!tpu.dma_semaphore, #tpu.memory_space<semaphore_mem>>) src(%dma_wait3A_254 : memref<4x8192xf32, #tpu.memory_space<hbm>>) dst(%arg5 : memref<4x8192xf32, #tpu.memory_space<vmem>>)
    %get3A_255 = arith.constant 0 : i32
    %get3A_256 = arith.index_cast %get3A_255 : i32 to index
    %get3A_257 = arith.constant 0 : index
    %get3A_258 = tpu.vector_load %arg5[%get3A_256, %get3A_257] {strides = array<i32>} : memref<4x8192xf32, #tpu.memory_space<vmem>>, vector<1x16xf32>,
    %get3A_259 = vector.shape_cast %get3A_258 : vector<1x16xf32> to vector<16xf32>
    %add3A_260 = arith.addf %add3A_244, %get3A_259 : vector<16xf32>
    %get3A_261 = arith.constant 1 : i32
    %get3A_262 = arith.index_cast %get3A_261 : i32 to index
    %get3A_263 = arith.constant 0 : index
    %get3A_264 = tpu.vector_load %arg5[%get3A_262, %get3A_263] {strides = array<i32>} : memref<4x8192xf32, #tpu.memory_space<vmem>>, vector<1x16xf32>,
    %get3A_265 = vector.shape_cast %get3A_264 : vector<1x16xf32> to vector<16xf32>
    %add3A_266 = arith.addf %add3A_260, %get3A_265 : vector<16xf32>
    %get3A_267 = arith.constant 2 : i32
    %get3A_268 = arith.index_cast %get3A_267 : i32 to index
    %get3A_269 = arith.constant 0 : index
    %get3A_270 = tpu.vector_load %arg5[%get3A_268, %get3A_269] {strides = array<i32>} : memref<4x8192xf32, #tpu.memory_space<vmem>>, vector<1x16xf32>,
    %get3A_271 = vector.shape_cast %get3A_270 : vector<1x16xf32> to vector<16xf32>
    %add3A_272 = arith.addf %add3A_266, %get3A_271 : vector<16xf32>
    %get3A_273 = arith.constant 3 : i32
    %get3A_274 = arith.index_cast %get3A_273 : i32 to index
    %get3A_275 = arith.constant 0 : index
    %get3A_276 = tpu.vector_load %arg5[%get3A_274, %get3A_275] {strides = array<i32>} : memref<4x8192xf32, #tpu.memory_space<vmem>>, vector<1x16xf32>,
    %get3A_277 = vector.shape_cast %get3A_276 : vector<1x16xf32> to vector<16xf32>
    %add3A_278 = arith.addf %add3A_272, %get3A_277 : vector<16xf32>
    %add3A_279 = arith.constant 36 : i32
    %add3A_280 = arith.addi %add3A_4, %add3A_279 : i32
    %dma_start3A_281 = arith.constant 0 : i32
    %dma_start3A_282 = tpu.memref_slice %arg2[%add3A_280, %dma_start3A_281] : memref<8192x8192xf32, #tpu.memory_space<hbm>> -> memref<4x8192xf32, #tpu.memory_space<hbm>>
    %dma_start3A_283 = arith.constant 0 : i32
    %dma_start3A_284 = tpu.memref_slice %arg2[%add3A_280, %dma_start3A_283] : memref<8192x8192xf32, #tpu.memory_space<hbm>> -> memref<4x8192xf32, #tpu.memory_space<hbm>>
    tpu.enqueue_dma source(%dma_start3A_284 : memref<4x8192xf32, #tpu.memory_space<hbm>>) target(%arg5 : memref<4x8192xf32, #tpu.memory_space<vmem>>) target_semaphore(%arg8 : memref<!tpu.dma_semaphore, #tpu.memory_space<semaphore_mem>>)
    %dma_wait3A_285 = arith.constant 0 : i32
    %dma_wait3A_286 = tpu.memref_slice %arg2[%add3A_246, %dma_wait3A_285] : memref<8192x8192xf32, #tpu.memory_space<hbm>> -> memref<4x8192xf32, #tpu.memory_space<hbm>>
    %dma_wait3A_287 = arith.constant 0 : i32
    %dma_wait3A_288 = tpu.memref_slice %arg2[%add3A_246, %dma_wait3A_287] : memref<8192x8192xf32, #tpu.memory_space<hbm>> -> memref<4x8192xf32, #tpu.memory_space<hbm>>
    tpu.wait_dma2 semaphore(%arg7 : memref<!tpu.dma_semaphore, #tpu.memory_space<semaphore_mem>>) src(%dma_wait3A_288 : memref<4x8192xf32, #tpu.memory_space<hbm>>) dst(%arg4 : memref<4x8192xf32, #tpu.memory_space<vmem>>)
    %get3A_289 = arith.constant 0 : i32
    %get3A_290 = arith.index_cast %get3A_289 : i32 to index
    %get3A_291 = arith.constant 0 : index
    %get3A_292 = tpu.vector_load %arg4[%get3A_290, %get3A_291] {strides = array<i32>} : memref<4x8192xf32, #tpu.memory_space<vmem>>, vector<1x16xf32>,
    %get3A_293 = vector.shape_cast %get3A_292 : vector<1x16xf32> to vector<16xf32>
    %add3A_294 = arith.addf %add3A_278, %get3A_293 : vector<16xf32>
    %get3A_295 = arith.constant 1 : i32
    %get3A_296 = arith.index_cast %get3A_295 : i32 to index
    %get3A_297 = arith.constant 0 : index
    %get3A_298 = tpu.vector_load %arg4[%get3A_296, %get3A_297] {strides = array<i32>} : memref<4x8192xf32, #tpu.memory_space<vmem>>, vector<1x16xf32>,
    %get3A_299 = vector.shape_cast %get3A_298 : vector<1x16xf32> to vector<16xf32>
    %add3A_300 = arith.addf %add3A_294, %get3A_299 : vector<16xf32>
    %get3A_301 = arith.constant 2 : i32
    %get3A_302 = arith.index_cast %get3A_301 : i32 to index
    %get3A_303 = arith.constant 0 : index
    %get3A_304 = tpu.vector_load %arg4[%get3A_302, %get3A_303] {strides = array<i32>} : memref<4x8192xf32, #tpu.memory_space<vmem>>, vector<1x16xf32>,
    %get3A_305 = vector.shape_cast %get3A_304 : vector<1x16xf32> to vector<16xf32>
    %add3A_306 = arith.addf %add3A_300, %get3A_305 : vector<16xf32>
    %get3A_307 = arith.constant 3 : i32
    %get3A_308 = arith.index_cast %get3A_307 : i32 to index
    %get3A_309 = arith.constant 0 : index
    %get3A_310 = tpu.vector_load %arg4[%get3A_308, %get3A_309] {strides = array<i32>} : memref<4x8192xf32, #tpu.memory_space<vmem>>, vector<1x16xf32>,
    %get3A_311 = vector.shape_cast %get3A_310 : vector<1x16xf32> to vector<16xf32>
    %add3A_312 = arith.addf %add3A_306, %get3A_311 : vector<16xf32>
    %add3A_313 = arith.constant 40 : i32
    %add3A_314 = arith.addi %add3A_4, %add3A_313 : i32
    %dma_start3A_315 = arith.constant 0 : i32
    %dma_start3A_316 = tpu.memref_slice %arg2[%add3A_314, %dma_start3A_315] : memref<8192x8192xf32, #tpu.memory_space<hbm>> -> memref<4x8192xf32, #tpu.memory_space<hbm>>
    %dma_start3A_317 = arith.constant 0 : i32
    %dma_start3A_318 = tpu.memref_slice %arg2[%add3A_314, %dma_start3A_317] : memref<8192x8192xf32, #tpu.memory_space<hbm>> -> memref<4x8192xf32, #tpu.memory_space<hbm>>
    tpu.enqueue_dma source(%dma_start3A_318 : memref<4x8192xf32, #tpu.memory_space<hbm>>) target(%arg4 : memref<4x8192xf32, #tpu.memory_space<vmem>>) target_semaphore(%arg7 : memref<!tpu.dma_semaphore, #tpu.memory_space<semaphore_mem>>)
    %dma_wait3A_319 = arith.constant 0 : i32
    %dma_wait3A_320 = tpu.memref_slice %arg2[%add3A_280, %dma_wait3A_319] : memref<8192x8192xf32, #tpu.memory_space<hbm>> -> memref<4x8192xf32, #tpu.memory_space<hbm>>
    %dma_wait3A_321 = arith.constant 0 : i32
    %dma_wait3A_322 = tpu.memref_slice %arg2[%add3A_280, %dma_wait3A_321] : memref<8192x8192xf32, #tpu.memory_space<hbm>> -> memref<4x8192xf32, #tpu.memory_space<hbm>>
    tpu.wait_dma2 semaphore(%arg8 : memref<!tpu.dma_semaphore, #tpu.memory_space<semaphore_mem>>) src(%dma_wait3A_322 : memref<4x8192xf32, #tpu.memory_space<hbm>>) dst(%arg5 : memref<4x8192xf32, #tpu.memory_space<vmem>>)
    %get3A_323 = arith.constant 0 : i32
    %get3A_324 = arith.index_cast %get3A_323 : i32 to index
    %get3A_325 = arith.constant 0 : index
    %get3A_326 = tpu.vector_load %arg5[%get3A_324, %get3A_325] {strides = array<i32>} : memref<4x8192xf32, #tpu.memory_space<vmem>>, vector<1x16xf32>,
    %get3A_327 = vector.shape_cast %get3A_326 : vector<1x16xf32> to vector<16xf32>
    %add3A_328 = arith.addf %add3A_312, %get3A_327 : vector<16xf32>
    %get3A_329 = arith.constant 1 : i32
    %get3A_330 = arith.index_cast %get3A_329 : i32 to index
    %get3A_331 = arith.constant 0 : index
    %get3A_332 = tpu.vector_load %arg5[%get3A_330, %get3A_331] {strides = array<i32>} : memref<4x8192xf32, #tpu.memory_space<vmem>>, vector<1x16xf32>,
    %get3A_333 = vector.shape_cast %get3A_332 : vector<1x16xf32> to vector<16xf32>
    %add3A_334 = arith.addf %add3A_328, %get3A_333 : vector<16xf32>
    %get3A_335 = arith.constant 2 : i32
    %get3A_336 = arith.index_cast %get3A_335 : i32 to index
    %get3A_337 = arith.constant 0 : index
    %get3A_338 = tpu.vector_load %arg5[%get3A_336, %get3A_337] {strides = array<i32>} : memref<4x8192xf32, #tpu.memory_space<vmem>>, vector<1x16xf32>,
    %get3A_339 = vector.shape_cast %get3A_338 : vector<1x16xf32> to vector<16xf32>
    %add3A_340 = arith.addf %add3A_334, %get3A_339 : vector<16xf32>
    %get3A_341 = arith.constant 3 : i32
    %get3A_342 = arith.index_cast %get3A_341 : i32 to index
    %get3A_343 = arith.constant 0 : index
    %get3A_344 = tpu.vector_load %arg5[%get3A_342, %get3A_343] {strides = array<i32>} : memref<4x8192xf32, #tpu.memory_space<vmem>>, vector<1x16xf32>,
    %get3A_345 = vector.shape_cast %get3A_344 : vector<1x16xf32> to vector<16xf32>
    %add3A_346 = arith.addf %add3A_340, %get3A_345 : vector<16xf32>
    %add3A_347 = arith.constant 44 : i32
    %add3A_348 = arith.addi %add3A_4, %add3A_347 : i32
    %dma_start3A_349 = arith.constant 0 : i32
    %dma_start3A_350 = tpu.memref_slice %arg2[%add3A_348, %dma_start3A_349] : memref<8192x8192xf32, #tpu.memory_space<hbm>> -> memref<4x8192xf32, #tpu.memory_space<hbm>>
    %dma_start3A_351 = arith.constant 0 : i32
    %dma_start3A_352 = tpu.memref_slice %arg2[%add3A_348, %dma_start3A_351] : memref<8192x8192xf32, #tpu.memory_space<hbm>> -> memref<4x8192xf32, #tpu.memory_space<hbm>>
    tpu.enqueue_dma source(%dma_start3A_352 : memref<4x8192xf32, #tpu.memory_space<hbm>>) target(%arg5 : memref<4x8192xf32, #tpu.memory_space<vmem>>) target_semaphore(%arg8 : memref<!tpu.dma_semaphore, #tpu.memory_space<semaphore_mem>>)
    %dma_wait3A_353 = arith.constant 0 : i32
    %dma_wait3A_354 = tpu.memref_slice %arg2[%add3A_314, %dma_wait3A_353] : memref<8192x8192xf32, #tpu.memory_space<hbm>> -> memref<4x8192xf32, #tpu.memory_space<hbm>>
    %dma_wait3A_355 = arith.constant 0 : i32
    %dma_wait3A_356 = tpu.memref_slice %arg2[%add3A_314, %dma_wait3A_355] : memref<8192x8192xf32, #tpu.memory_space<hbm>> -> memref<4x8192xf32, #tpu.memory_space<hbm>>
    tpu.wait_dma2 semaphore(%arg7 : memref<!tpu.dma_semaphore, #tpu.memory_space<semaphore_mem>>) src(%dma_wait3A_356 : memref<4x8192xf32, #tpu.memory_space<hbm>>) dst(%arg4 : memref<4x8192xf32, #tpu.memory_space<vmem>>)
    %get3A_357 = arith.constant 0 : i32
    %get3A_358 = arith.index_cast %get3A_357 : i32 to index
    %get3A_359 = arith.constant 0 : index
    %get3A_360 = tpu.vector_load %arg4[%get3A_358, %get3A_359] {strides = array<i32>} : memref<4x8192xf32, #tpu.memory_space<vmem>>, vector<1x16xf32>,
    %get3A_361 = vector.shape_cast %get3A_360 : vector<1x16xf32> to vector<16xf32>
    %add3A_362 = arith.addf %add3A_346, %get3A_361 : vector<16xf32>
    %get3A_363 = arith.constant 1 : i32
    %get3A_364 = arith.index_cast %get3A_363 : i32 to index
    %get3A_365 = arith.constant 0 : index
    %get3A_366 = tpu.vector_load %arg4[%get3A_364, %get3A_365] {strides = array<i32>} : memref<4x8192xf32, #tpu.memory_space<vmem>>, vector<1x16xf32>,
    %get3A_367 = vector.shape_cast %get3A_366 : vector<1x16xf32> to vector<16xf32>
    %add3A_368 = arith.addf %add3A_362, %get3A_367 : vector<16xf32>
    %get3A_369 = arith.constant 2 : i32
    %get3A_370 = arith.index_cast %get3A_369 : i32 to index
    %get3A_371 = arith.constant 0 : index
    %get3A_372 = tpu.vector_load %arg4[%get3A_370, %get3A_371] {strides = array<i32>} : memref<4x8192xf32, #tpu.memory_space<vmem>>, vector<1x16xf32>,
    %get3A_373 = vector.shape_cast %get3A_372 : vector<1x16xf32> to vector<16xf32>
    %add3A_374 = arith.addf %add3A_368, %get3A_373 : vector<16xf32>
    %get3A_375 = arith.constant 3 : i32
    %get3A_376 = arith.index_cast %get3A_375 : i32 to index
    %get3A_377 = arith.constant 0 : index
    %get3A_378 = tpu.vector_load %arg4[%get3A_376, %get3A_377] {strides = array<i32>} : memref<4x8192xf32, #tpu.memory_space<vmem>>, vector<1x16xf32>,
    %get3A_379 = vector.shape_cast %get3A_378 : vector<1x16xf32> to vector<16xf32>
    %add3A_380 = arith.addf %add3A_374, %get3A_379 : vector<16xf32>
    %add3A_381 = arith.constant 48 : i32
    %add3A_382 = arith.addi %add3A_4, %add3A_381 : i32
    %dma_start3A_383 = arith.constant 0 : i32
    %dma_start3A_384 = tpu.memref_slice %arg2[%add3A_382, %dma_start3A_383] : memref<8192x8192xf32, #tpu.memory_space<hbm>> -> memref<4x8192xf32, #tpu.memory_space<hbm>>
    %dma_start3A_385 = arith.constant 0 : i32
    %dma_start3A_386 = tpu.memref_slice %arg2[%add3A_382, %dma_start3A_385] : memref<8192x8192xf32, #tpu.memory_space<hbm>> -> memref<4x8192xf32, #tpu.memory_space<hbm>>
    tpu.enqueue_dma source(%dma_start3A_386 : memref<4x8192xf32, #tpu.memory_space<hbm>>) target(%arg4 : memref<4x8192xf32, #tpu.memory_space<vmem>>) target_semaphore(%arg7 : memref<!tpu.dma_semaphore, #tpu.memory_space<semaphore_mem>>)
    %dma_wait3A_387 = arith.constant 0 : i32
    %dma_wait3A_388 = tpu.memref_slice %arg2[%add3A_348, %dma_wait3A_387] : memref<8192x8192xf32, #tpu.memory_space<hbm>> -> memref<4x8192xf32, #tpu.memory_space<hbm>>
    %dma_wait3A_389 = arith.constant 0 : i32
    %dma_wait3A_390 = tpu.memref_slice %arg2[%add3A_348, %dma_wait3A_389] : memref<8192x8192xf32, #tpu.memory_space<hbm>> -> memref<4x8192xf32, #tpu.memory_space<hbm>>
    tpu.wait_dma2 semaphore(%arg8 : memref<!tpu.dma_semaphore, #tpu.memory_space<semaphore_mem>>) src(%dma_wait3A_390 : memref<4x8192xf32, #tpu.memory_space<hbm>>) dst(%arg5 : memref<4x8192xf32, #tpu.memory_space<vmem>>)
    %get3A_391 = arith.constant 0 : i32
    %get3A_392 = arith.index_cast %get3A_391 : i32 to index
    %get3A_393 = arith.constant 0 : index
    %get3A_394 = tpu.vector_load %arg5[%get3A_392, %get3A_393] {strides = array<i32>} : memref<4x8192xf32, #tpu.memory_space<vmem>>, vector<1x16xf32>,
    %get3A_395 = vector.shape_cast %get3A_394 : vector<1x16xf32> to vector<16xf32>
    %add3A_396 = arith.addf %add3A_380, %get3A_395 : vector<16xf32>
    %get3A_397 = arith.constant 1 : i32
    %get3A_398 = arith.index_cast %get3A_397 : i32 to index
    %get3A_399 = arith.constant 0 : index
    %get3A_400 = tpu.vector_load %arg5[%get3A_398, %get3A_399] {strides = array<i32>} : memref<4x8192xf32, #tpu.memory_space<vmem>>, vector<1x16xf32>,
    %get3A_401 = vector.shape_cast %get3A_400 : vector<1x16xf32> to vector<16xf32>
    %add3A_402 = arith.addf %add3A_396, %get3A_401 : vector<16xf32>
    %get3A_403 = arith.constant 2 : i32
    %get3A_404 = arith.index_cast %get3A_403 : i32 to index
    %get3A_405 = arith.constant 0 : index
    %get3A_406 = tpu.vector_load %arg5[%get3A_404, %get3A_405] {strides = array<i32>} : memref<4x8192xf32, #tpu.memory_space<vmem>>, vector<1x16xf32>,
    %get3A_407 = vector.shape_cast %get3A_406 : vector<1x16xf32> to vector<16xf32>
    %add3A_408 = arith.addf %add3A_402, %get3A_407 : vector<16xf32>
    %get3A_409 = arith.constant 3 : i32
    %get3A_410 = arith.index_cast %get3A_409 : i32 to index
    %get3A_411 = arith.constant 0 : index
    %get3A_412 = tpu.vector_load %arg5[%get3A_410, %get3A_411] {strides = array<i32>} : memref<4x8192xf32, #tpu.memory_space<vmem>>, vector<1x16xf32>,
    %get3A_413 = vector.shape_cast %get3A_412 : vector<1x16xf32> to vector<16xf32>
    %add3A_414 = arith.addf %add3A_408, %get3A_413 : vector<16xf32>
    %add3A_415 = arith.constant 52 : i32
    %add3A_416 = arith.addi %add3A_4, %add3A_415 : i32
    %dma_start3A_417 = arith.constant 0 : i32
    %dma_start3A_418 = tpu.memref_slice %arg2[%add3A_416, %dma_start3A_417] : memref<8192x8192xf32, #tpu.memory_space<hbm>> -> memref<4x8192xf32, #tpu.memory_space<hbm>>
    %dma_start3A_419 = arith.constant 0 : i32
    %dma_start3A_420 = tpu.memref_slice %arg2[%add3A_416, %dma_start3A_419] : memref<8192x8192xf32, #tpu.memory_space<hbm>> -> memref<4x8192xf32, #tpu.memory_space<hbm>>
    tpu.enqueue_dma source(%dma_start3A_420 : memref<4x8192xf32, #tpu.memory_space<hbm>>) target(%arg5 : memref<4x8192xf32, #tpu.memory_space<vmem>>) target_semaphore(%arg8 : memref<!tpu.dma_semaphore, #tpu.memory_space<semaphore_mem>>)
    %dma_wait3A_421 = arith.constant 0 : i32
    %dma_wait3A_422 = tpu.memref_slice %arg2[%add3A_382, %dma_wait3A_421] : memref<8192x8192xf32, #tpu.memory_space<hbm>> -> memref<4x8192xf32, #tpu.memory_space<hbm>>
    %dma_wait3A_423 = arith.constant 0 : i32
    %dma_wait3A_424 = tpu.memref_slice %arg2[%add3A_382, %dma_wait3A_423] : memref<8192x8192xf32, #tpu.memory_space<hbm>> -> memref<4x8192xf32, #tpu.memory_space<hbm>>
    tpu.wait_dma2 semaphore(%arg7 : memref<!tpu.dma_semaphore, #tpu.memory_space<semaphore_mem>>) src(%dma_wait3A_424 : memref<4x8192xf32, #tpu.memory_space<hbm>>) dst(%arg4 : memref<4x8192xf32, #tpu.memory_space<vmem>>)
    %get3A_425 = arith.constant 0 : i32
    %get3A_426 = arith.index_cast %get3A_425 : i32 to index
    %get3A_427 = arith.constant 0 : index
    %get3A_428 = tpu.vector_load %arg4[%get3A_426, %get3A_427] {strides = array<i32>} : memref<4x8192xf32, #tpu.memory_space<vmem>>, vector<1x16xf32>,
    %get3A_429 = vector.shape_cast %get3A_428 : vector<1x16xf32> to vector<16xf32>
    %add3A_430 = arith.addf %add3A_414, %get3A_429 : vector<16xf32>
    %get3A_431 = arith.constant 1 : i32
    %get3A_432 = arith.index_cast %get3A_431 : i32 to index
    %get3A_433 = arith.constant 0 : index
    %get3A_434 = tpu.vector_load %arg4[%get3A_432, %get3A_433] {strides = array<i32>} : memref<4x8192xf32, #tpu.memory_space<vmem>>, vector<1x16xf32>,
    %get3A_435 = vector.shape_cast %get3A_434 : vector<1x16xf32> to vector<16xf32>
    %add3A_436 = arith.addf %add3A_430, %get3A_435 : vector<16xf32>
    %get3A_437 = arith.constant 2 : i32
    %get3A_438 = arith.index_cast %get3A_437 : i32 to index
    %get3A_439 = arith.constant 0 : index
    %get3A_440 = tpu.vector_load %arg4[%get3A_438, %get3A_439] {strides = array<i32>} : memref<4x8192xf32, #tpu.memory_space<vmem>>, vector<1x16xf32>,
    %get3A_441 = vector.shape_cast %get3A_440 : vector<1x16xf32> to vector<16xf32>
    %add3A_442 = arith.addf %add3A_436, %get3A_441 : vector<16xf32>
    %get3A_443 = arith.constant 3 : i32
    %get3A_444 = arith.index_cast %get3A_443 : i32 to index
    %get3A_445 = arith.constant 0 : index
    %get3A_446 = tpu.vector_load %arg4[%get3A_444, %get3A_445] {strides = array<i32>} : memref<4x8192xf32, #tpu.memory_space<vmem>>, vector<1x16xf32>,
    %get3A_447 = vector.shape_cast %get3A_446 : vector<1x16xf32> to vector<16xf32>
    %add3A_448 = arith.addf %add3A_442, %get3A_447 : vector<16xf32>
    %add3A_449 = arith.constant 56 : i32
    %add3A_450 = arith.addi %add3A_4, %add3A_449 : i32
    %dma_start3A_451 = arith.constant 0 : i32
    %dma_start3A_452 = tpu.memref_slice %arg2[%add3A_450, %dma_start3A_451] : memref<8192x8192xf32, #tpu.memory_space<hbm>> -> memref<4x8192xf32, #tpu.memory_space<hbm>>
    %dma_start3A_453 = arith.constant 0 : i32
    %dma_start3A_454 = tpu.memref_slice %arg2[%add3A_450, %dma_start3A_453] : memref<8192x8192xf32, #tpu.memory_space<hbm>> -> memref<4x8192xf32, #tpu.memory_space<hbm>>
    tpu.enqueue_dma source(%dma_start3A_454 : memref<4x8192xf32, #tpu.memory_space<hbm>>) target(%arg4 : memref<4x8192xf32, #tpu.memory_space<vmem>>) target_semaphore(%arg7 : memref<!tpu.dma_semaphore, #tpu.memory_space<semaphore_mem>>)
    %dma_wait3A_455 = arith.constant 0 : i32
    %dma_wait3A_456 = tpu.memref_slice %arg2[%add3A_416, %dma_wait3A_455] : memref<8192x8192xf32, #tpu.memory_space<hbm>> -> memref<4x8192xf32, #tpu.memory_space<hbm>>
    %dma_wait3A_457 = arith.constant 0 : i32
    %dma_wait3A_458 = tpu.memref_slice %arg2[%add3A_416, %dma_wait3A_457] : memref<8192x8192xf32, #tpu.memory_space<hbm>> -> memref<4x8192xf32, #tpu.memory_space<hbm>>
    tpu.wait_dma2 semaphore(%arg8 : memref<!tpu.dma_semaphore, #tpu.memory_space<semaphore_mem>>) src(%dma_wait3A_458 : memref<4x8192xf32, #tpu.memory_space<hbm>>) dst(%arg5 : memref<4x8192xf32, #tpu.memory_space<vmem>>)
    %get3A_459 = arith.constant 0 : i32
    %get3A_460 = arith.index_cast %get3A_459 : i32 to index
    %get3A_461 = arith.constant 0 : index
    %get3A_462 = tpu.vector_load %arg5[%get3A_460, %get3A_461] {strides = array<i32>} : memref<4x8192xf32, #tpu.memory_space<vmem>>, vector<1x16xf32>,
    %get3A_463 = vector.shape_cast %get3A_462 : vector<1x16xf32> to vector<16xf32>
    %add3A_464 = arith.addf %add3A_448, %get3A_463 : vector<16xf32>
    %get3A_465 = arith.constant 1 : i32
    %get3A_466 = arith.index_cast %get3A_465 : i32 to index
    %get3A_467 = arith.constant 0 : index
    %get3A_468 = tpu.vector_load %arg5[%get3A_466, %get3A_467] {strides = array<i32>} : memref<4x8192xf32, #tpu.memory_space<vmem>>, vector<1x16xf32>,
    %get3A_469 = vector.shape_cast %get3A_468 : vector<1x16xf32> to vector<16xf32>
    %add3A_470 = arith.addf %add3A_464, %get3A_469 : vector<16xf32>
    %get3A_471 = arith.constant 2 : i32
    %get3A_472 = arith.index_cast %get3A_471 : i32 to index
    %get3A_473 = arith.constant 0 : index
    %get3A_474 = tpu.vector_load %arg5[%get3A_472, %get3A_473] {strides = array<i32>} : memref<4x8192xf32, #tpu.memory_space<vmem>>, vector<1x16xf32>,
    %get3A_475 = vector.shape_cast %get3A_474 : vector<1x16xf32> to vector<16xf32>
    %add3A_476 = arith.addf %add3A_470, %get3A_475 : vector<16xf32>
    %get3A_477 = arith.constant 3 : i32
    %get3A_478 = arith.index_cast %get3A_477 : i32 to index
    %get3A_479 = arith.constant 0 : index
    %get3A_480 = tpu.vector_load %arg5[%get3A_478, %get3A_479] {strides = array<i32>} : memref<4x8192xf32, #tpu.memory_space<vmem>>, vector<1x16xf32>,
    %get3A_481 = vector.shape_cast %get3A_480 : vector<1x16xf32> to vector<16xf32>
    %add3A_482 = arith.addf %add3A_476, %get3A_481 : vector<16xf32>
    %add3A_483 = arith.constant 60 : i32
    %add3A_484 = arith.addi %add3A_4, %add3A_483 : i32
    %dma_start3A_485 = arith.constant 0 : i32
    %dma_start3A_486 = tpu.memref_slice %arg2[%add3A_484, %dma_start3A_485] : memref<8192x8192xf32, #tpu.memory_space<hbm>> -> memref<4x8192xf32, #tpu.memory_space<hbm>>
    %dma_start3A_487 = arith.constant 0 : i32
    %dma_start3A_488 = tpu.memref_slice %arg2[%add3A_484, %dma_start3A_487] : memref<8192x8192xf32, #tpu.memory_space<hbm>> -> memref<4x8192xf32, #tpu.memory_space<hbm>>
    tpu.enqueue_dma source(%dma_start3A_488 : memref<4x8192xf32, #tpu.memory_space<hbm>>) target(%arg5 : memref<4x8192xf32, #tpu.memory_space<vmem>>) target_semaphore(%arg8 : memref<!tpu.dma_semaphore, #tpu.memory_space<semaphore_mem>>)
    %dma_wait3A_489 = arith.constant 0 : i32
    %dma_wait3A_490 = tpu.memref_slice %arg2[%add3A_450, %dma_wait3A_489] : memref<8192x8192xf32, #tpu.memory_space<hbm>> -> memref<4x8192xf32, #tpu.memory_space<hbm>>
    %dma_wait3A_491 = arith.constant 0 : i32
    %dma_wait3A_492 = tpu.memref_slice %arg2[%add3A_450, %dma_wait3A_491] : memref<8192x8192xf32, #tpu.memory_space<hbm>> -> memref<4x8192xf32, #tpu.memory_space<hbm>>
    tpu.wait_dma2 semaphore(%arg7 : memref<!tpu.dma_semaphore, #tpu.memory_space<semaphore_mem>>) src(%dma_wait3A_492 : memref<4x8192xf32, #tpu.memory_space<hbm>>) dst(%arg4 : memref<4x8192xf32, #tpu.memory_space<vmem>>)
    %get3A_493 = arith.constant 0 : i32
    %get3A_494 = arith.index_cast %get3A_493 : i32 to index
    %get3A_495 = arith.constant 0 : index
    %get3A_496 = tpu.vector_load %arg4[%get3A_494, %get3A_495] {strides = array<i32>} : memref<4x8192xf32, #tpu.memory_space<vmem>>, vector<1x16xf32>,
    %get3A_497 = vector.shape_cast %get3A_496 : vector<1x16xf32> to vector<16xf32>
    %add3A_498 = arith.addf %add3A_482, %get3A_497 : vector<16xf32>
    %get3A_499 = arith.constant 1 : i32
    %get3A_500 = arith.index_cast %get3A_499 : i32 to index
    %get3A_501 = arith.constant 0 : index
    %get3A_502 = tpu.vector_load %arg4[%get3A_500, %get3A_501] {strides = array<i32>} : memref<4x8192xf32, #tpu.memory_space<vmem>>, vector<1x16xf32>,
    %get3A_503 = vector.shape_cast %get3A_502 : vector<1x16xf32> to vector<16xf32>
    %add3A_504 = arith.addf %add3A_498, %get3A_503 : vector<16xf32>
    %get3A_505 = arith.constant 2 : i32
    %get3A_506 = arith.index_cast %get3A_505 : i32 to index
    %get3A_507 = arith.constant 0 : index
    %get3A_508 = tpu.vector_load %arg4[%get3A_506, %get3A_507] {strides = array<i32>} : memref<4x8192xf32, #tpu.memory_space<vmem>>, vector<1x16xf32>,
    %get3A_509 = vector.shape_cast %get3A_508 : vector<1x16xf32> to vector<16xf32>
    %add3A_510 = arith.addf %add3A_504, %get3A_509 : vector<16xf32>
    %get3A_511 = arith.constant 3 : i32
    %get3A_512 = arith.index_cast %get3A_511 : i32 to index
    %get3A_513 = arith.constant 0 : index
    %get3A_514 = tpu.vector_load %arg4[%get3A_512, %get3A_513] {strides = array<i32>} : memref<4x8192xf32, #tpu.memory_space<vmem>>, vector<1x16xf32>,
    %get3A_515 = vector.shape_cast %get3A_514 : vector<1x16xf32> to vector<16xf32>
    %add3A_516 = arith.addf %add3A_510, %get3A_515 : vector<16xf32>
    %add3A_517 = arith.constant 64 : i32
    %add3A_518 = arith.addi %add3A_4, %add3A_517 : i32
    %dma_start3A_519 = arith.constant 0 : i32
    %dma_start3A_520 = tpu.memref_slice %arg2[%add3A_518, %dma_start3A_519] : memref<8192x8192xf32, #tpu.memory_space<hbm>> -> memref<4x8192xf32, #tpu.memory_space<hbm>>
    %dma_start3A_521 = arith.constant 0 : i32
    %dma_start3A_522 = tpu.memref_slice %arg2[%add3A_518, %dma_start3A_521] : memref<8192x8192xf32, #tpu.memory_space<hbm>> -> memref<4x8192xf32, #tpu.memory_space<hbm>>
    tpu.enqueue_dma source(%dma_start3A_522 : memref<4x8192xf32, #tpu.memory_space<hbm>>) target(%arg4 : memref<4x8192xf32, #tpu.memory_space<vmem>>) target_semaphore(%arg7 : memref<!tpu.dma_semaphore, #tpu.memory_space<semaphore_mem>>)
    %dma_wait3A_523 = arith.constant 0 : i32
    %dma_wait3A_524 = tpu.memref_slice %arg2[%add3A_484, %dma_wait3A_523] : memref<8192x8192xf32, #tpu.memory_space<hbm>> -> memref<4x8192xf32, #tpu.memory_space<hbm>>
    %dma_wait3A_525 = arith.constant 0 : i32
    %dma_wait3A_526 = tpu.memref_slice %arg2[%add3A_484, %dma_wait3A_525] : memref<8192x8192xf32, #tpu.memory_space<hbm>> -> memref<4x8192xf32, #tpu.memory_space<hbm>>
    tpu.wait_dma2 semaphore(%arg8 : memref<!tpu.dma_semaphore, #tpu.memory_space<semaphore_mem>>) src(%dma_wait3A_526 : memref<4x8192xf32, #tpu.memory_space<hbm>>) dst(%arg5 : memref<4x8192xf32, #tpu.memory_space<vmem>>)
    %get3A_527 = arith.constant 0 : i32
    %get3A_528 = arith.index_cast %get3A_527 : i32 to index
    %get3A_529 = arith.constant 0 : index
    %get3A_530 = tpu.vector_load %arg5[%get3A_528, %get3A_529] {strides = array<i32>} : memref<4x8192xf32, #tpu.memory_space<vmem>>, vector<1x16xf32>,
    %get3A_531 = vector.shape_cast %get3A_530 : vector<1x16xf32> to vector<16xf32>
    %add3A_532 = arith.addf %add3A_516, %get3A_531 : vector<16xf32>
    %get3A_533 = arith.constant 1 : i32
    %get3A_534 = arith.index_cast %get3A_533 : i32 to index
    %get3A_535 = arith.constant 0 : index
    %get3A_536 = tpu.vector_load %arg5[%get3A_534, %get3A_535] {strides = array<i32>} : memref<4x8192xf32, #tpu.memory_space<vmem>>, vector<1x16xf32>,
    %get3A_537 = vector.shape_cast %get3A_536 : vector<1x16xf32> to vector<16xf32>
    %add3A_538 = arith.addf %add3A_532, %get3A_537 : vector<16xf32>
    %get3A_539 = arith.constant 2 : i32
    %get3A_540 = arith.index_cast %get3A_539 : i32 to index
    %get3A_541 = arith.constant 0 : index
    %get3A_542 = tpu.vector_load %arg5[%get3A_540, %get3A_541] {strides = array<i32>} : memref<4x8192xf32, #tpu.memory_space<vmem>>, vector<1x16xf32>,
    %get3A_543 = vector.shape_cast %get3A_542 : vector<1x16xf32> to vector<16xf32>
    %add3A_544 = arith.addf %add3A_538, %get3A_543 : vector<16xf32>
    %get3A_545 = arith.constant 3 : i32
    %get3A_546 = arith.index_cast %get3A_545 : i32 to index
    %get3A_547 = arith.constant 0 : index
    %get3A_548 = tpu.vector_load %arg5[%get3A_546, %get3A_547] {strides = array<i32>} : memref<4x8192xf32, #tpu.memory_space<vmem>>, vector<1x16xf32>,
    %get3A_549 = vector.shape_cast %get3A_548 : vector<1x16xf32> to vector<16xf32>
    %add3A_550 = arith.addf %add3A_544, %get3A_549 : vector<16xf32>
    %add3A_551 = arith.constant 68 : i32
    %add3A_552 = arith.addi %add3A_4, %add3A_551 : i32
    %dma_start3A_553 = arith.constant 0 : i32
    %dma_start3A_554 = tpu.memref_slice %arg2[%add3A_552, %dma_start3A_553] : memref<8192x8192xf32, #tpu.memory_space<hbm>> -> memref<4x8192xf32, #tpu.memory_space<hbm>>
    %dma_start3A_555 = arith.constant 0 : i32
    %dma_start3A_556 = tpu.memref_slice %arg2[%add3A_552, %dma_start3A_555] : memref<8192x8192xf32, #tpu.memory_space<hbm>> -> memref<4x8192xf32, #tpu.memory_space<hbm>>
    tpu.enqueue_dma source(%dma_start3A_556 : memref<4x8192xf32, #tpu.memory_space<hbm>>) target(%arg5 : memref<4x8192xf32, #tpu.memory_space<vmem>>) target_semaphore(%arg8 : memref<!tpu.dma_semaphore, #tpu.memory_space<semaphore_mem>>)
    %dma_wait3A_557 = arith.constant 0 : i32
    %dma_wait3A_558 = tpu.memref_slice %arg2[%add3A_518, %dma_wait3A_557] : memref<8192x8192xf32, #tpu.memory_space<hbm>> -> memref<4x8192xf32, #tpu.memory_space<hbm>>
    %dma_wait3A_559 = arith.constant 0 : i32
    %dma_wait3A_560 = tpu.memref_slice %arg2[%add3A_518, %dma_wait3A_559] : memref<8192x8192xf32, #tpu.memory_space<hbm>> -> memref<4x8192xf32, #tpu.memory_space<hbm>>
    tpu.wait_dma2 semaphore(%arg7 : memref<!tpu.dma_semaphore, #tpu.memory_space<semaphore_mem>>) src(%dma_wait3A_560 : memref<4x8192xf32, #tpu.memory_space<hbm>>) dst(%arg4 : memref<4x8192xf32, #tpu.memory_space<vmem>>)
    %get3A_561 = arith.constant 0 : i32
    %get3A_562 = arith.index_cast %get3A_561 : i32 to index
    %get3A_563 = arith.constant 0 : index
    %get3A_564 = tpu.vector_load %arg4[%get3A_562, %get3A_563] {strides = array<i32>} : memref<4x8192xf32, #tpu.memory_space<vmem>>, vector<1x16xf32>,
    %get3A_565 = vector.shape_cast %get3A_564 : vector<1x16xf32> to vector<16xf32>
    %add3A_566 = arith.addf %add3A_550, %get3A_565 : vector<16xf32>
    %get3A_567 = arith.constant 1 : i32
    %get3A_568 = arith.index_cast %get3A_567 : i32 to index
    %get3A_569 = arith.constant 0 : index
    %get3A_570 = tpu.vector_load %arg4[%get3A_568, %get3A_569] {strides = array<i32>} : memref<4x8192xf32, #tpu.memory_space<vmem>>, vector<1x16xf32>,
    %get3A_571 = vector.shape_cast %get3A_570 : vector<1x16xf32> to vector<16xf32>
    %add3A_572 = arith.addf %add3A_566, %get3A_571 : vector<16xf32>
    %get3A_573 = arith.constant 2 : i32
    %get3A_574 = arith.index_cast %get3A_573 : i32 to index
    %get3A_575 = arith.constant 0 : index
    %get3A_576 = tpu.vector_load %arg4[%get3A_574, %get3A_575] {strides = array<i32>} : memref<4x8192xf32, #tpu.memory_space<vmem>>, vector<1x16xf32>,
    %get3A_577 = vector.shape_cast %get3A_576 : vector<1x16xf32> to vector<16xf32>
    %add3A_578 = arith.addf %add3A_572, %get3A_577 : vector<16xf32>
    %get3A_579 = arith.constant 3 : i32
    %get3A_580 = arith.index_cast %get3A_579 : i32 to index
    %get3A_581 = arith.constant 0 : index
    %get3A_582 = tpu.vector_load %arg4[%get3A_580, %get3A_581] {strides = array<i32>} : memref<4x8192xf32, #tpu.memory_space<vmem>>, vector<1x16xf32>,
    %get3A_583 = vector.shape_cast %get3A_582 : vector<1x16xf32> to vector<16xf32>
    %add3A_584 = arith.addf %add3A_578, %get3A_583 : vector<16xf32>
    %add3A_585 = arith.constant 72 : i32
    %add3A_586 = arith.addi %add3A_4, %add3A_585 : i32
    %dma_start3A_587 = arith.constant 0 : i32
    %dma_start3A_588 = tpu.memref_slice %arg2[%add3A_586, %dma_start3A_587] : memref<8192x8192xf32, #tpu.memory_space<hbm>> -> memref<4x8192xf32, #tpu.memory_space<hbm>>
    %dma_start3A_589 = arith.constant 0 : i32
    %dma_start3A_590 = tpu.memref_slice %arg2[%add3A_586, %dma_start3A_589] : memref<8192x8192xf32, #tpu.memory_space<hbm>> -> memref<4x8192xf32, #tpu.memory_space<hbm>>
    tpu.enqueue_dma source(%dma_start3A_590 : memref<4x8192xf32, #tpu.memory_space<hbm>>) target(%arg4 : memref<4x8192xf32, #tpu.memory_space<vmem>>) target_semaphore(%arg7 : memref<!tpu.dma_semaphore, #tpu.memory_space<semaphore_mem>>)
    %dma_wait3A_591 = arith.constant 0 : i32
    %dma_wait3A_592 = tpu.memref_slice %arg2[%add3A_552, %dma_wait3A_591] : memref<8192x8192xf32, #tpu.memory_space<hbm>> -> memref<4x8192xf32, #tpu.memory_space<hbm>>
    %dma_wait3A_593 = arith.constant 0 : i32
    %dma_wait3A_594 = tpu.memref_slice %arg2[%add3A_552, %dma_wait3A_593] : memref<8192x8192xf32, #tpu.memory_space<hbm>> -> memref<4x8192xf32, #tpu.memory_space<hbm>>
    tpu.wait_dma2 semaphore(%arg8 : memref<!tpu.dma_semaphore, #tpu.memory_space<semaphore_mem>>) src(%dma_wait3A_594 : memref<4x8192xf32, #tpu.memory_space<hbm>>) dst(%arg5 : memref<4x8192xf32, #tpu.memory_space<vmem>>)
    %get3A_595 = arith.constant 0 : i32
    %get3A_596 = arith.index_cast %get3A_595 : i32 to index
    %get3A_597 = arith.constant 0 : index
    %get3A_598 = tpu.vector_load %arg5[%get3A_596, %get3A_597] {strides = array<i32>} : memref<4x8192xf32, #tpu.memory_space<vmem>>, vector<1x16xf32>,
    %get3A_599 = vector.shape_cast %get3A_598 : vector<1x16xf32> to vector<16xf32>
    %add3A_600 = arith.addf %add3A_584, %get3A_599 : vector<16xf32>
    %get3A_601 = arith.constant 1 : i32
    %get3A_602 = arith.index_cast %get3A_601 : i32 to index
    %get3A_603 = arith.constant 0 : index
    %get3A_604 = tpu.vector_load %arg5[%get3A_602, %get3A_603] {strides = array<i32>} : memref<4x8192xf32, #tpu.memory_space<vmem>>, vector<1x16xf32>,
    %get3A_605 = vector.shape_cast %get3A_604 : vector<1x16xf32> to vector<16xf32>
    %add3A_606 = arith.addf %add3A_600, %get3A_605 : vector<16xf32>
    %get3A_607 = arith.constant 2 : i32
    %get3A_608 = arith.index_cast %get3A_607 : i32 to index
    %get3A_609 = arith.constant 0 : index
    %get3A_610 = tpu.vector_load %arg5[%get3A_608, %get3A_609] {strides = array<i32>} : memref<4x8192xf32, #tpu.memory_space<vmem>>, vector<1x16xf32>,
    %get3A_611 = vector.shape_cast %get3A_610 : vector<1x16xf32> to vector<16xf32>
    %add3A_612 = arith.addf %add3A_606, %get3A_611 : vector<16xf32>
    %get3A_613 = arith.constant 3 : i32
    %get3A_614 = arith.index_cast %get3A_613 : i32 to index
    %get3A_615 = arith.constant 0 : index
    %get3A_616 = tpu.vector_load %arg5[%get3A_614, %get3A_615] {strides = array<i32>} : memref<4x8192xf32, #tpu.memory_space<vmem>>, vector<1x16xf32>,
    %get3A_617 = vector.shape_cast %get3A_616 : vector<1x16xf32> to vector<16xf32>
    %add3A_618 = arith.addf %add3A_612, %get3A_617 : vector<16xf32>
    %add3A_619 = arith.constant 76 : i32
    %add3A_620 = arith.addi %add3A_4, %add3A_619 : i32
    %dma_start3A_621 = arith.constant 0 : i32
    %dma_start3A_622 = tpu.memref_slice %arg2[%add3A_620, %dma_start3A_621] : memref<8192x8192xf32, #tpu.memory_space<hbm>> -> memref<4x8192xf32, #tpu.memory_space<hbm>>
    %dma_start3A_623 = arith.constant 0 : i32
    %dma_start3A_624 = tpu.memref_slice %arg2[%add3A_620, %dma_start3A_623] : memref<8192x8192xf32, #tpu.memory_space<hbm>> -> memref<4x8192xf32, #tpu.memory_space<hbm>>
    tpu.enqueue_dma source(%dma_start3A_624 : memref<4x8192xf32, #tpu.memory_space<hbm>>) target(%arg5 : memref<4x8192xf32, #tpu.memory_space<vmem>>) target_semaphore(%arg8 : memref<!tpu.dma_semaphore, #tpu.memory_space<semaphore_mem>>)
    %dma_wait3A_625 = arith.constant 0 : i32
    %dma_wait3A_626 = tpu.memref_slice %arg2[%add3A_586, %dma_wait3A_625] : memref<8192x8192xf32, #tpu.memory_space<hbm>> -> memref<4x8192xf32, #tpu.memory_space<hbm>>
    %dma_wait3A_627 = arith.constant 0 : i32
    %dma_wait3A_628 = tpu.memref_slice %arg2[%add3A_586, %dma_wait3A_627] : memref<8192x8192xf32, #tpu.memory_space<hbm>> -> memref<4x8192xf32, #tpu.memory_space<hbm>>
    tpu.wait_dma2 semaphore(%arg7 : memref<!tpu.dma_semaphore, #tpu.memory_space<semaphore_mem>>) src(%dma_wait3A_628 : memref<4x8192xf32, #tpu.memory_space<hbm>>) dst(%arg4 : memref<4x8192xf32, #tpu.memory_space<vmem>>)
    %get3A_629 = arith.constant 0 : i32
    %get3A_630 = arith.index_cast %get3A_629 : i32 to index
    %get3A_631 = arith.constant 0 : index
    %get3A_632 = tpu.vector_load %arg4[%get3A_630, %get3A_631] {strides = array<i32>} : memref<4x8192xf32, #tpu.memory_space<vmem>>, vector<1x16xf32>,
    %get3A_633 = vector.shape_cast %get3A_632 : vector<1x16xf32> to vector<16xf32>
    %add3A_634 = arith.addf %add3A_618, %get3A_633 : vector<16xf32>
    %get3A_635 = arith.constant 1 : i32
    %get3A_636 = arith.index_cast %get3A_635 : i32 to index
    %get3A_637 = arith.constant 0 : index
    %get3A_638 = tpu.vector_load %arg4[%get3A_636, %get3A_637] {strides = array<i32>} : memref<4x8192xf32, #tpu.memory_space<vmem>>, vector<1x16xf32>,
    %get3A_639 = vector.shape_cast %get3A_638 : vector<1x16xf32> to vector<16xf32>
    %add3A_640 = arith.addf %add3A_634, %get3A_639 : vector<16xf32>
    %get3A_641 = arith.constant 2 : i32
    %get3A_642 = arith.index_cast %get3A_641 : i32 to index
    %get3A_643 = arith.constant 0 : index
    %get3A_644 = tpu.vector_load %arg4[%get3A_642, %get3A_643] {strides = array<i32>} : memref<4x8192xf32, #tpu.memory_space<vmem>>, vector<1x16xf32>,
    %get3A_645 = vector.shape_cast %get3A_644 : vector<1x16xf32> to vector<16xf32>
    %add3A_646 = arith.addf %add3A_640, %get3A_645 : vector<16xf32>
    %get3A_647 = arith.constant 3 : i32
    %get3A_648 = arith.index_cast %get3A_647 : i32 to index
    %get3A_649 = arith.constant 0 : index
    %get3A_650 = tpu.vector_load %arg4[%get3A_648, %get3A_649] {strides = array<i32>} : memref<4x8192xf32, #tpu.memory_space<vmem>>, vector<1x16xf32>,
    %get3A_651 = vector.shape_cast %get3A_650 : vector<1x16xf32> to vector<16xf32>
    %add3A_652 = arith.addf %add3A_646, %get3A_651 : vector<16xf32>
    %add3A_653 = arith.constant 80 : i32
    %add3A_654 = arith.addi %add3A_4, %add3A_653 : i32
    %dma_start3A_655 = arith.constant 0 : i32
    %dma_start3A_656 = tpu.memref_slice %arg2[%add3A_654, %dma_start3A_655] : memref<8192x8192xf32, #tpu.memory_space<hbm>> -> memref<4x8192xf32, #tpu.memory_space<hbm>>
    %dma_start3A_657 = arith.constant 0 : i32
    %dma_start3A_658 = tpu.memref_slice %arg2[%add3A_654, %dma_start3A_657] : memref<8192x8192xf32, #tpu.memory_space<hbm>> -> memref<4x8192xf32, #tpu.memory_space<hbm>>
    tpu.enqueue_dma source(%dma_start3A_658 : memref<4x8192xf32, #tpu.memory_space<hbm>>) target(%arg4 : memref<4x8192xf32, #tpu.memory_space<vmem>>) target_semaphore(%arg7 : memref<!tpu.dma_semaphore, #tpu.memory_space<semaphore_mem>>)
    %dma_wait3A_659 = arith.constant 0 : i32
    %dma_wait3A_660 = tpu.memref_slice %arg2[%add3A_620, %dma_wait3A_659] : memref<8192x8192xf32, #tpu.memory_space<hbm>> -> memref<4x8192xf32, #tpu.memory_space<hbm>>
    %dma_wait3A_661 = arith.constant 0 : i32
    %dma_wait3A_662 = tpu.memref_slice %arg2[%add3A_620, %dma_wait3A_661] : memref<8192x8192xf32, #tpu.memory_space<hbm>> -> memref<4x8192xf32, #tpu.memory_space<hbm>>
    tpu.wait_dma2 semaphore(%arg8 : memref<!tpu.dma_semaphore, #tpu.memory_space<semaphore_mem>>) src(%dma_wait3A_662 : memref<4x8192xf32, #tpu.memory_space<hbm>>) dst(%arg5 : memref<4x8192xf32, #tpu.memory_space<vmem>>)
    %get3A_663 = arith.constant 0 : i32
    %get3A_664 = arith.index_cast %get3A_663 : i32 to index
    %get3A_665 = arith.constant 0 : index
    %get3A_666 = tpu.vector_load %arg5[%get3A_664, %get3A_665] {strides = array<i32>} : memref<4x8192xf32, #tpu.memory_space<vmem>>, vector<1x16xf32>,
    %get3A_667 = vector.shape_cast %get3A_666 : vector<1x16xf32> to vector<16xf32>
    %add3A_668 = arith.addf %add3A_652, %get3A_667 : vector<16xf32>
    %get3A_669 = arith.constant 1 : i32
    %get3A_670 = arith.index_cast %get3A_669 : i32 to index
    %get3A_671 = arith.constant 0 : index
    %get3A_672 = tpu.vector_load %arg5[%get3A_670, %get3A_671] {strides = array<i32>} : memref<4x8192xf32, #tpu.memory_space<vmem>>, vector<1x16xf32>,
    %get3A_673 = vector.shape_cast %get3A_672 : vector<1x16xf32> to vector<16xf32>
    %add3A_674 = arith.addf %add3A_668, %get3A_673 : vector<16xf32>
    %get3A_675 = arith.constant 2 : i32
    %get3A_676 = arith.index_cast %get3A_675 : i32 to index
    %get3A_677 = arith.constant 0 : index
    %get3A_678 = tpu.vector_load %arg5[%get3A_676, %get3A_677] {strides = array<i32>} : memref<4x8192xf32, #tpu.memory_space<vmem>>, vector<1x16xf32>,
    %get3A_679 = vector.shape_cast %get3A_678 : vector<1x16xf32> to vector<16xf32>
    %add3A_680 = arith.addf %add3A_674, %get3A_679 : vector<16xf32>
    %get3A_681 = arith.constant 3 : i32
    %get3A_682 = arith.index_cast %get3A_681 : i32 to index
    %get3A_683 = arith.constant 0 : index
    %get3A_684 = tpu.vector_load %arg5[%get3A_682, %get3A_683] {strides = array<i32>} : memref<4x8192xf32, #tpu.memory_space<vmem>>, vector<1x16xf32>,
    %get3A_685 = vector.shape_cast %get3A_684 : vector<1x16xf32> to vector<16xf32>
    %add3A_686 = arith.addf %add3A_680, %get3A_685 : vector<16xf32>
    %add3A_687 = arith.constant 84 : i32
    %add3A_688 = arith.addi %add3A_4, %add3A_687 : i32
    %dma_start3A_689 = arith.constant 0 : i32
    %dma_start3A_690 = tpu.memref_slice %arg2[%add3A_688, %dma_start3A_689] : memref<8192x8192xf32, #tpu.memory_space<hbm>> -> memref<4x8192xf32, #tpu.memory_space<hbm>>
    %dma_start3A_691 = arith.constant 0 : i32
    %dma_start3A_692 = tpu.memref_slice %arg2[%add3A_688, %dma_start3A_691] : memref<8192x8192xf32, #tpu.memory_space<hbm>> -> memref<4x8192xf32, #tpu.memory_space<hbm>>
    tpu.enqueue_dma source(%dma_start3A_692 : memref<4x8192xf32, #tpu.memory_space<hbm>>) target(%arg5 : memref<4x8192xf32, #tpu.memory_space<vmem>>) target_semaphore(%arg8 : memref<!tpu.dma_semaphore, #tpu.memory_space<semaphore_mem>>)
    %dma_wait3A_693 = arith.constant 0 : i32
    %dma_wait3A_694 = tpu.memref_slice %arg2[%add3A_654, %dma_wait3A_693] : memref<8192x8192xf32, #tpu.memory_space<hbm>> -> memref<4x8192xf32, #tpu.memory_space<hbm>>
    %dma_wait3A_695 = arith.constant 0 : i32
    %dma_wait3A_696 = tpu.memref_slice %arg2[%add3A_654, %dma_wait3A_695] : memref<8192x8192xf32, #tpu.memory_space<hbm>> -> memref<4x8192xf32, #tpu.memory_space<hbm>>
    tpu.wait_dma2 semaphore(%arg7 : memref<!tpu.dma_semaphore, #tpu.memory_space<semaphore_mem>>) src(%dma_wait3A_696 : memref<4x8192xf32, #tpu.memory_space<hbm>>) dst(%arg4 : memref<4x8192xf32, #tpu.memory_space<vmem>>)
    %get3A_697 = arith.constant 0 : i32
    %get3A_698 = arith.index_cast %get3A_697 : i32 to index
    %get3A_699 = arith.constant 0 : index
    %get3A_700 = tpu.vector_load %arg4[%get3A_698, %get3A_699] {strides = array<i32>} : memref<4x8192xf32, #tpu.memory_space<vmem>>, vector<1x16xf32>,
    %get3A_701 = vector.shape_cast %get3A_700 : vector<1x16xf32> to vector<16xf32>
    %add3A_702 = arith.addf %add3A_686, %get3A_701 : vector<16xf32>
    %get3A_703 = arith.constant 1 : i32
    %get3A_704 = arith.index_cast %get3A_703 : i32 to index
    %get3A_705 = arith.constant 0 : index
    %get3A_706 = tpu.vector_load %arg4[%get3A_704, %get3A_705] {strides = array<i32>} : memref<4x8192xf32, #tpu.memory_space<vmem>>, vector<1x16xf32>,
    %get3A_707 = vector.shape_cast %get3A_706 : vector<1x16xf32> to vector<16xf32>
    %add3A_708 = arith.addf %add3A_702, %get3A_707 : vector<16xf32>
    %get3A_709 = arith.constant 2 : i32
    %get3A_710 = arith.index_cast %get3A_709 : i32 to index
    %get3A_711 = arith.constant 0 : index
    %get3A_712 = tpu.vector_load %arg4[%get3A_710, %get3A_711] {strides = array<i32>} : memref<4x8192xf32, #tpu.memory_space<vmem>>, vector<1x16xf32>,
    %get3A_713 = vector.shape_cast %get3A_712 : vector<1x16xf32> to vector<16xf32>
    %add3A_714 = arith.addf %add3A_708, %get3A_713 : vector<16xf32>
    %get3A_715 = arith.constant 3 : i32
    %get3A_716 = arith.index_cast %get3A_715 : i32 to index
    %get3A_717 = arith.constant 0 : index
    %get3A_718 = tpu.vector_load %arg4[%get3A_716, %get3A_717] {strides = array<i32>} : memref<4x8192xf32, #tpu.memory_space<vmem>>, vector<1x16xf32>,
    %get3A_719 = vector.shape_cast %get3A_718 : vector<1x16xf32> to vector<16xf32>
    %add3A_720 = arith.addf %add3A_714, %get3A_719 : vector<16xf32>
    %add3A_721 = arith.constant 88 : i32
    %add3A_722 = arith.addi %add3A_4, %add3A_721 : i32
    %dma_start3A_723 = arith.constant 0 : i32
    %dma_start3A_724 = tpu.memref_slice %arg2[%add3A_722, %dma_start3A_723] : memref<8192x8192xf32, #tpu.memory_space<hbm>> -> memref<4x8192xf32, #tpu.memory_space<hbm>>
    %dma_start3A_725 = arith.constant 0 : i32
    %dma_start3A_726 = tpu.memref_slice %arg2[%add3A_722, %dma_start3A_725] : memref<8192x8192xf32, #tpu.memory_space<hbm>> -> memref<4x8192xf32, #tpu.memory_space<hbm>>
    tpu.enqueue_dma source(%dma_start3A_726 : memref<4x8192xf32, #tpu.memory_space<hbm>>) target(%arg4 : memref<4x8192xf32, #tpu.memory_space<vmem>>) target_semaphore(%arg7 : memref<!tpu.dma_semaphore, #tpu.memory_space<semaphore_mem>>)
    %dma_wait3A_727 = arith.constant 0 : i32
    %dma_wait3A_728 = tpu.memref_slice %arg2[%add3A_688, %dma_wait3A_727] : memref<8192x8192xf32, #tpu.memory_space<hbm>> -> memref<4x8192xf32, #tpu.memory_space<hbm>>
    %dma_wait3A_729 = arith.constant 0 : i32
    %dma_wait3A_730 = tpu.memref_slice %arg2[%add3A_688, %dma_wait3A_729] : memref<8192x8192xf32, #tpu.memory_space<hbm>> -> memref<4x8192xf32, #tpu.memory_space<hbm>>
    tpu.wait_dma2 semaphore(%arg8 : memref<!tpu.dma_semaphore, #tpu.memory_space<semaphore_mem>>) src(%dma_wait3A_730 : memref<4x8192xf32, #tpu.memory_space<hbm>>) dst(%arg5 : memref<4x8192xf32, #tpu.memory_space<vmem>>)
    %get3A_731 = arith.constant 0 : i32
    %get3A_732 = arith.index_cast %get3A_731 : i32 to index
    %get3A_733 = arith.constant 0 : index
    %get3A_734 = tpu.vector_load %arg5[%get3A_732, %get3A_733] {strides = array<i32>} : memref<4x8192xf32, #tpu.memory_space<vmem>>, vector<1x16xf32>,
    %get3A_735 = vector.shape_cast %get3A_734 : vector<1x16xf32> to vector<16xf32>
    %add3A_736 = arith.addf %add3A_720, %get3A_735 : vector<16xf32>
    %get3A_737 = arith.constant 1 : i32
    %get3A_738 = arith.index_cast %get3A_737 : i32 to index
    %get3A_739 = arith.constant 0 : index
    %get3A_740 = tpu.vector_load %arg5[%get3A_738, %get3A_739] {strides = array<i32>} : memref<4x8192xf32, #tpu.memory_space<vmem>>, vector<1x16xf32>,
    %get3A_741 = vector.shape_cast %get3A_740 : vector<1x16xf32> to vector<16xf32>
    %add3A_742 = arith.addf %add3A_736, %get3A_741 : vector<16xf32>
    %get3A_743 = arith.constant 2 : i32
    %get3A_744 = arith.index_cast %get3A_743 : i32 to index
    %get3A_745 = arith.constant 0 : index
    %get3A_746 = tpu.vector_load %arg5[%get3A_744, %get3A_745] {strides = array<i32>} : memref<4x8192xf32, #tpu.memory_space<vmem>>, vector<1x16xf32>,
    %get3A_747 = vector.shape_cast %get3A_746 : vector<1x16xf32> to vector<16xf32>
    %add3A_748 = arith.addf %add3A_742, %get3A_747 : vector<16xf32>
    %get3A_749 = arith.constant 3 : i32
    %get3A_750 = arith.index_cast %get3A_749 : i32 to index
    %get3A_751 = arith.constant 0 : index
    %get3A_752 = tpu.vector_load %arg5[%get3A_750, %get3A_751] {strides = array<i32>} : memref<4x8192xf32, #tpu.memory_space<vmem>>, vector<1x16xf32>,
    %get3A_753 = vector.shape_cast %get3A_752 : vector<1x16xf32> to vector<16xf32>
    %add3A_754 = arith.addf %add3A_748, %get3A_753 : vector<16xf32>
    %add3A_755 = arith.constant 92 : i32
    %add3A_756 = arith.addi %add3A_4, %add3A_755 : i32
    %dma_start3A_757 = arith.constant 0 : i32
    %dma_start3A_758 = tpu.memref_slice %arg2[%add3A_756, %dma_start3A_757] : memref<8192x8192xf32, #tpu.memory_space<hbm>> -> memref<4x8192xf32, #tpu.memory_space<hbm>>
    %dma_start3A_759 = arith.constant 0 : i32
    %dma_start3A_760 = tpu.memref_slice %arg2[%add3A_756, %dma_start3A_759] : memref<8192x8192xf32, #tpu.memory_space<hbm>> -> memref<4x8192xf32, #tpu.memory_space<hbm>>
    tpu.enqueue_dma source(%dma_start3A_760 : memref<4x8192xf32, #tpu.memory_space<hbm>>) target(%arg5 : memref<4x8192xf32, #tpu.memory_space<vmem>>) target_semaphore(%arg8 : memref<!tpu.dma_semaphore, #tpu.memory_space<semaphore_mem>>)
    %dma_wait3A_761 = arith.constant 0 : i32
    %dma_wait3A_762 = tpu.memref_slice %arg2[%add3A_722, %dma_wait3A_761] : memref<8192x8192xf32, #tpu.memory_space<hbm>> -> memref<4x8192xf32, #tpu.memory_space<hbm>>
    %dma_wait3A_763 = arith.constant 0 : i32
    %dma_wait3A_764 = tpu.memref_slice %arg2[%add3A_722, %dma_wait3A_763] : memref<8192x8192xf32, #tpu.memory_space<hbm>> -> memref<4x8192xf32, #tpu.memory_space<hbm>>
    tpu.wait_dma2 semaphore(%arg7 : memref<!tpu.dma_semaphore, #tpu.memory_space<semaphore_mem>>) src(%dma_wait3A_764 : memref<4x8192xf32, #tpu.memory_space<hbm>>) dst(%arg4 : memref<4x8192xf32, #tpu.memory_space<vmem>>)
    %get3A_765 = arith.constant 0 : i32
    %get3A_766 = arith.index_cast %get3A_765 : i32 to index
    %get3A_767 = arith.constant 0 : index
    %get3A_768 = tpu.vector_load %arg4[%get3A_766, %get3A_767] {strides = array<i32>} : memref<4x8192xf32, #tpu.memory_space<vmem>>, vector<1x16xf32>,
    %get3A_769 = vector.shape_cast %get3A_768 : vector<1x16xf32> to vector<16xf32>
    %add3A_770 = arith.addf %add3A_754, %get3A_769 : vector<16xf32>
    %get3A_771 = arith.constant 1 : i32
    %get3A_772 = arith.index_cast %get3A_771 : i32 to index
    %get3A_773 = arith.constant 0 : index
    %get3A_774 = tpu.vector_load %arg4[%get3A_772, %get3A_773] {strides = array<i32>} : memref<4x8192xf32, #tpu.memory_space<vmem>>, vector<1x16xf32>,
    %get3A_775 = vector.shape_cast %get3A_774 : vector<1x16xf32> to vector<16xf32>
    %add3A_776 = arith.addf %add3A_770, %get3A_775 : vector<16xf32>
    %get3A_777 = arith.constant 2 : i32
    %get3A_778 = arith.index_cast %get3A_777 : i32 to index
    %get3A_779 = arith.constant 0 : index
    %get3A_780 = tpu.vector_load %arg4[%get3A_778, %get3A_779] {strides = array<i32>} : memref<4x8192xf32, #tpu.memory_space<vmem>>, vector<1x16xf32>,
    %get3A_781 = vector.shape_cast %get3A_780 : vector<1x16xf32> to vector<16xf32>
    %add3A_782 = arith.addf %add3A_776, %get3A_781 : vector<16xf32>
    %get3A_783 = arith.constant 3 : i32
    %get3A_784 = arith.index_cast %get3A_783 : i32 to index
    %get3A_785 = arith.constant 0 : index
    %get3A_786 = tpu.vector_load %arg4[%get3A_784, %get3A_785] {strides = array<i32>} : memref<4x8192xf32, #tpu.memory_space<vmem>>, vector<1x16xf32>,
    %get3A_787 = vector.shape_cast %get3A_786 : vector<1x16xf32> to vector<16xf32>
    %add3A_788 = arith.addf %add3A_782, %get3A_787 : vector<16xf32>
    %dma_wait3A_789 = arith.constant 0 : i32
    %dma_wait3A_790 = tpu.memref_slice %arg2[%add3A_756, %dma_wait3A_789] : memref<8192x8192xf32, #tpu.memory_space<hbm>> -> memref<4x8192xf32, #tpu.memory_space<hbm>>
    %dma_wait3A_791 = arith.constant 0 : i32
    %dma_wait3A_792 = tpu.memref_slice %arg2[%add3A_756, %dma_wait3A_791] : memref<8192x8192xf32, #tpu.memory_space<hbm>> -> memref<4x8192xf32, #tpu.memory_space<hbm>>
    tpu.wait_dma2 semaphore(%arg8 : memref<!tpu.dma_semaphore, #tpu.memory_space<semaphore_mem>>) src(%dma_wait3A_792 : memref<4x8192xf32, #tpu.memory_space<hbm>>) dst(%arg5 : memref<4x8192xf32, #tpu.memory_space<vmem>>)
    %get3A_793 = arith.constant 0 : i32
    %get3A_794 = arith.index_cast %get3A_793 : i32 to index
    %get3A_795 = arith.constant 0 : index
    %get3A_796 = tpu.vector_load %arg5[%get3A_794, %get3A_795] {strides = array<i32>} : memref<4x8192xf32, #tpu.memory_space<vmem>>, vector<1x16xf32>,
    %get3A_797 = vector.shape_cast %get3A_796 : vector<1x16xf32> to vector<16xf32>
    %add3A_798 = arith.addf %add3A_788, %get3A_797 : vector<16xf32>
    %get3A_799 = arith.constant 1 : i32
    %get3A_800 = arith.index_cast %get3A_799 : i32 to index
    %get3A_801 = arith.constant 0 : index
    %get3A_802 = tpu.vector_load %arg5[%get3A_800, %get3A_801] {strides = array<i32>} : memref<4x8192xf32, #tpu.memory_space<vmem>>, vector<1x16xf32>,
    %get3A_803 = vector.shape_cast %get3A_802 : vector<1x16xf32> to vector<16xf32>
    %add3A_804 = arith.addf %add3A_798, %get3A_803 : vector<16xf32>
    %get3A_805 = arith.constant 2 : i32
    %get3A_806 = arith.index_cast %get3A_805 : i32 to index
    %get3A_807 = arith.constant 0 : index
    %get3A_808 = tpu.vector_load %arg5[%get3A_806, %get3A_807] {strides = array<i32>} : memref<4x8192xf32, #tpu.memory_space<vmem>>, vector<1x16xf32>,
    %get3A_809 = vector.shape_cast %get3A_808 : vector<1x16xf32> to vector<16xf32>
    %add3A_810 = arith.addf %add3A_804, %get3A_809 : vector<16xf32>
    %get3A_811 = arith.constant 3 : i32
    %get3A_812 = arith.index_cast %get3A_811 : i32 to index
    %get3A_813 = arith.constant 0 : index
    %get3A_814 = tpu.vector_load %arg5[%get3A_812, %get3A_813] {strides = array<i32>} : memref<4x8192xf32, #tpu.memory_space<vmem>>, vector<1x16xf32>,
    %get3A_815 = vector.shape_cast %get3A_814 : vector<1x16xf32> to vector<16xf32>
    %add3A_816 = arith.addf %add3A_810, %get3A_815 : vector<16xf32>
    %swap3A = arith.constant 0 : index
    %swap3A_817 = tpu.vector_load %arg6[%swap3A] {strides = array<i32>} : memref<16xf32, #tpu.memory_space<vmem>>, vector<16xf32>,
    %swap3A_818 = vector.shape_cast %swap3A_817 : vector<16xf32> to vector<16xf32>
    %swap3A_819 = vector.shape_cast %add3A_816 : vector<16xf32> to vector<16xf32>
    tpu.vector_store %arg6[%swap3A], %swap3A_819 {strides = array<i32>} : memref<16xf32, #tpu.memory_space<vmem>>, vector<16xf32>,
    %mul3A_820 = arith.constant 16 : i32
    %mul3A_821 = arith.muli %add3A, %mul3A_820 : i32
    "tpu.region"() ({
      %run_scoped3A = tpu.sem_alloc : memref<!tpu.dma_semaphore, #tpu.memory_space<semaphore_mem>>
      %dma_start3A_822 = tpu.memref_slice %arg3[%mul3A_821] : memref<512xf32, #tpu.memory_space<hbm>> -> memref<16xf32, #tpu.memory_space<hbm>>
      %dma_start3A_823 = tpu.memref_slice %arg3[%mul3A_821] : memref<512xf32, #tpu.memory_space<hbm>> -> memref<16xf32, #tpu.memory_space<hbm>>
      tpu.enqueue_dma source(%arg6 : memref<16xf32, #tpu.memory_space<vmem>>) target(%dma_start3A_823 : memref<16xf32, #tpu.memory_space<hbm>>) target_semaphore(%run_scoped3A : memref<!tpu.dma_semaphore, #tpu.memory_space<semaphore_mem>>)
      %dma_wait3A_824 = tpu.memref_slice %arg3[%mul3A_821] : memref<512xf32, #tpu.memory_space<hbm>> -> memref<16xf32, #tpu.memory_space<hbm>>
      %dma_wait3A_825 = tpu.memref_slice %arg3[%mul3A_821] : memref<512xf32, #tpu.memory_space<hbm>> -> memref<16xf32, #tpu.memory_space<hbm>>
      tpu.wait_dma2 semaphore(%run_scoped3A : memref<!tpu.dma_semaphore, #tpu.memory_space<semaphore_mem>>) src(%arg6 : memref<16xf32, #tpu.memory_space<vmem>>) dst(%dma_wait3A_825 : memref<16xf32, #tpu.memory_space<hbm>>)
      tpu.yield
    }) : () -> ()
    return
  }
}

module attributes {stable_mosaic.version = 14 : i64} {
  func.func @_tc_probe_body(%arg0: i32, %arg1: memref<1x8192xf32, #tpu.memory_space<vmem>>, %arg2: memref<256x8192xf32, #tpu.memory_space<vmem>>, %arg3: memref<1x256xf32, #tpu.memory_space<vmem>>, %arg4: memref<1x5120xf32, #tpu.memory_space<vmem>>, %arg5: memref<1x5120xf32, #tpu.memory_space<vmem>>) attributes {dimension_semantics = [#tpu.dimension_semantics<arbitrary>], iteration_bounds = array<i64: 20>, scalar_prefetch = 0 : i64, scratch_operands = 1 : i64, tpu.core_type = #tpu.core_type<tc>, window_params = [{pipeline_mode = #tpu.pipeline_mode<synchronous>, transform_indices = @transform_0, window_bounds = array<i64: 1, 8192>}, {transform_indices = @transform_1, window_bounds = array<i64: 256, 8192>}, {transform_indices = @transform_2, window_bounds = array<i64: 1, 256>}, {pipeline_mode = #tpu.pipeline_mode<synchronous>, transform_indices = @transform_3, window_bounds = array<i64: 1, 5120>}]} {
    %get3A = arith.constant 0 : index
    %get3A_0 = arith.constant 0 : index
    %get3A_1 = vector.load %arg2[%get3A, %get3A_0] : memref<256x8192xf32, #tpu.memory_space<vmem>>, vector<256x8192xf32>
    %reduce_max3A = arith.constant dense<0xFF800000> : vector<8192xf32>
    %reduce_max3A_2 = vector.multi_reduction <maximumf>, %get3A_1, %reduce_max3A [0] : vector<256x8192xf32> to vector<8192xf32>
    %broadcast_in_dim3A = vector.shape_cast %reduce_max3A_2 : vector<8192xf32> to vector<1x8192xf32>
    %slice3A = vector.extract_strided_slice %broadcast_in_dim3A {offsets = [0, 0], sizes = [1, 256], strides = [1, 1]} : vector<1x8192xf32> to vector<1x256xf32>
    %get3A_3 = arith.constant 0 : index
    %get3A_4 = arith.constant 0 : index
    %get3A_5 = vector.load %arg1[%get3A_3, %get3A_4] : memref<1x8192xf32, #tpu.memory_space<vmem>>, vector<1x1xf32>
    %get3A_6 = vector.extract %get3A_5[0, 0] : f32 from vector<1x1xf32>
    %add3A = vector.broadcast %get3A_6 : f32 to vector<1x256xf32>
    %add3A_7 = arith.addf %slice3A, %add3A : vector<1x256xf32>
    %get3A_8 = arith.constant 0 : index
    %get3A_9 = arith.constant 0 : index
    %get3A_10 = vector.load %arg3[%get3A_8, %get3A_9] : memref<1x256xf32, #tpu.memory_space<vmem>>, vector<1x1xf32>
    %get3A_11 = vector.extract %get3A_10[0, 0] : f32 from vector<1x1xf32>
    %add3A_12 = vector.broadcast %get3A_11 : f32 to vector<1x256xf32>
    %add3A_13 = arith.addf %add3A_7, %add3A_12 : vector<1x256xf32>
    %mul3A = arith.constant 256 : i32
    %mul3A_14 = arith.muli %arg0, %mul3A : i32
    %swap3A = arith.constant 0 : index
    %swap3A_15 = arith.index_cast %mul3A_14 : i32 to index
    %swap3A_16 = vector.load %arg5[%swap3A, %swap3A_15] : memref<1x5120xf32, #tpu.memory_space<vmem>>, vector<1x256xf32>
    tpu.vector_store %arg5[%swap3A, %swap3A_15], %add3A_13 {strides = array<i32>} : memref<1x5120xf32, #tpu.memory_space<vmem>>, vector<1x256xf32>,
    %eq3A = arith.constant 19 : i32
    %eq3A_17 = arith.cmpi eq, %arg0, %eq3A : i32
    %convert_element_type3A = arith.extui %eq3A_17 : i1 to i32
    %cond3A = arith.constant 0 : i32
    %cond3A_18 = arith.cmpi ne, %convert_element_type3A, %cond3A : i32
    scf.if %cond3A_18 {
      %get3A_19 = arith.constant 0 : index
      %get3A_20 = arith.constant 0 : index
      %get3A_21 = vector.load %arg5[%get3A_19, %get3A_20] : memref<1x5120xf32, #tpu.memory_space<vmem>>, vector<1x5120xf32>
      %swap3A_22 = arith.constant 0 : index
      %swap3A_23 = arith.constant 0 : index
      %swap3A_24 = vector.load %arg4[%swap3A_22, %swap3A_23] : memref<1x5120xf32, #tpu.memory_space<vmem>>, vector<1x5120xf32>
      tpu.vector_store %arg4[%swap3A_22, %swap3A_23], %get3A_21 {strides = array<i32>} : memref<1x5120xf32, #tpu.memory_space<vmem>>, vector<1x5120xf32>,
    } else {
    }
    return
  }
  func.func @transform_0(%arg0: i32) -> (i32, i32) {
    %c0_i32 = arith.constant 0 : i32
    %c0_i32_0 = arith.constant 0 : i32
    %c0_i32_1 = arith.constant 0 : i32
    return %c0_i32, %c0_i32_0 : i32, i32
  }
  func.func @transform_1(%arg0: i32) -> (i32, i32) {
    %c0_i32 = arith.constant 0 : i32
    %c0_i32_0 = arith.constant 0 : i32
    return %arg0, %c0_i32 : i32, i32
  }
  func.func @transform_2(%arg0: i32) -> (i32, i32) {
    %c0_i32 = arith.constant 0 : i32
    %c0_i32_0 = arith.constant 0 : i32
    return %c0_i32, %arg0 : i32, i32
  }
  func.func @transform_3(%arg0: i32) -> (i32, i32) {
    %c0_i32 = arith.constant 0 : i32
    %c0_i32_0 = arith.constant 0 : i32
    %c0_i32_1 = arith.constant 0 : i32
    return %c0_i32, %c0_i32_0 : i32, i32
  }
}

</mosaic_0001>

<sc_bundles>
// kernel: kernel.4.cloned.1.call-start
scs
__scs_entry_jumppad:
0x0: {  	(pc) =	sbr.rel $0x88, $3  }
0x1: {  	(tag) =	ssettag $0x0;
	lr =	simm.s32 $0x1  }
0x2: {  	[smem:$0x3F9E] =	sst lr;
	_ =	strace $0xD0000000  }
0x3: {  	_ = 	snop  }
0x4: {  	_ = 	snop  }
0x5: {  	_ = 	snop  }
0x6: {  	_ = 	snop  }
0x7: {  	_ = 	snop  }
__scs_overlays_trampoline_lowered:
0x8: {  	[smem:$0x3FAD] =	sst s0  }
0x9: {  	[smem:$0x3FAE] =	sst s1  }
0xa: {  	[smem:$0x3FAF] =	sst s2  }
0xb: {  	[smem:$0x3FB0] =	sst s3  }
0xc: {  	[smem:$0x3FB1] =	sst s4  }
0xd: {  	[smem:$0x3FB2] =	sst s5  }
0xe: {  	[smem:$0x3FB3] =	sst s6  }
0xf: {  	[smem:$0x3FB4] =	sst s7  }
0x10: {  	[smem:$0x3FB5] =	sst s8  }
0x11: {  	[smem:$0x3FB6] =	sst s9;
	s0 =	simm.s32 @!p0 $0x0  }
0x12: {  	s1 =	sld [smem:$0x3F9C];
	s0 =	simm.s32 @p0 $0x1  }
0x13: {  	[smem:$0x3FB7] =	sst s0;
	s0 =	simm.s32 @!p1 $0x0  }
0x14: {  	s2 =	sld [smem:$0x3F9B];
	s0 =	simm.s32 @p1 $0x1  }
0x15: {  	[smem:$0x3FB8] =	sst s0;
	s0 =	simm.s32 @!p2 $0x0  }
0x16: {  	s3 =	sld [smem:$0x3FDB];
	s0 =	simm.s32 @p2 $0x1  }
0x17: {  	s4 =	simm.s32 $0x1BF5;
	[smem:$0x3FBA] =	sst s0  }
0x18: {  	s0 =	sld [smem:$0x3F9D];
	_ =	swait.ge [sflag:s4], $0x0  }
0x19: {  	s7 =	sld [smem:$0x3F9E]  }
0x1a: {  	s8 =	sadd.s32 $0xFFFFE003, lr  }
0x1b: {  	s9 =	sadd.s32 $0xFFFFFEF7, lr;
	s5 =	simm.s32 $0xFFFFFFFF;
	p2 =	slt.u32 s8, $0xFFFFF086  }
0x1c: {  	p1 =	slt.u32 s9, $0xF7A;
	s5 =	simm.s32 @!p2 $0x0  }
0x1d: {  	s5 =	simm.s32 @p1 $0x1;
	p0 =	seq.s32 s7, s2  }
0x1e: {  	s7 =	smul.u32 @!p0 $0xF7A, s2;
	p2 =	seq.s32 @!p0 s5, $0x0  }
0x1f: {  	s9 =	smul.u32 $0xF7A, s1;
	s8 =	simm.s32 @!p0 $0x1BF5;
	p2 =	por !p2, p0  }
0x20: {  	[sflag:s8] =	ssyncset.s32 @!p0 $0xFFFFF086;
	s6 =	sadd.s32 @!p0 s3, s7;
	s7 =	simm.s32 @!p0 $0x108  }
0x21: {  	s3 =	sadd.s32 s3, s9;
	s6 =	sadd.s32 @!p0 $0x88, s6;
	s7 =	simm.s32 @p2 $0x1082  }
0x22: {  	[simem:s7], [sflag:s8] =	dma.local @!p0 [hbm:s6], $0xF7A  }
0x23: {  	s9 =	sor.u32 $0xD0000000, s2;
	s6 =	simm.s32 $0x108;
	_ =	swait.ge @!p0 [sflag:s8], $0x0  }
0x24: {  	s3 =	sadd.s32 $0x88, s3;
	s6 =	simm.s32 @!p1 $0x1082;
	[sflag:s4] =	ssyncset.s32 $0xFFFFF086  }
0x25: {  	[simem:s6], [sflag:s4] =	dma.local [hbm:s3], $0xF7A  }
0x26: {  	[smem:$0x3F9E] =	sst s1;
	(tag) =	ssettag s2;
	_ =	strace s9  }
0x27: {  	s1 =	sld [smem:$0x3FAE]  }
0x28: {  	s2 =	sld [smem:$0x3FAF]  }
0x29: {  	s4 =	sld [smem:$0x3FB1]  }
0x2a: {  	p0 =	seq.s32 s5, $0x0;
	s5 =	sld [smem:$0x3FB2]  }
0x2b: {  	s6 =	sld [smem:$0x3FB3]  }
0x2c: {  	s7 =	sld [smem:$0x3FB4]  }
0x2d: {  	s3 =	simm.s32 $0x108;
	s8 =	sld [smem:$0x3FB5]  }
0x2e: {  	s3 =	simm.s32 @!p0 $0x1082;
	s9 =	sld [smem:$0x3FB6]  }
0x2f: {  	lr =	sadd.s32 s0, s3;
	s0 =	sld [smem:$0x3FAD]  }
0x30: {  	s3 =	sld [smem:$0x3FB0]  }
0x31: {  	[smem:$0x3FB9] =	sst s10  }
0x32: {  	s10 =	sld [smem:$0x3FB7];
	_ =	sdelay $0x3  }
0x33: {  	p0 =	seq.s32 s10, $0x1;
	s10 =	sld [smem:$0x3FB9];
	_ =	sdelay $0x3  }
0x34: {  	[smem:$0x3FB9] =	sst s10  }
0x35: {  	s10 =	sld [smem:$0x3FB8];
	_ =	sdelay $0x3  }
0x36: {  	p1 =	seq.s32 s10, $0x1;
	s10 =	sld [smem:$0x3FB9];
	_ =	sdelay $0x3  }
0x37: {  	[smem:$0x3FB9] =	sst s10  }
0x38: {  	s10 =	sld [smem:$0x3FBA]  }
0x39: {  	_ = 	snop;
	(pc) =	sbr.ind lr, $3  }
0x3a: {  	_ = 	snop  }
0x3b: {  	_ = 	snop  }
0x3c: {  	p2 =	seq.s32 s10, $0x1;
	s10 =	sld [smem:$0x3FB9]  }
0x3d: {  	_ =	shalt  }
0x3e: {  	_ =	shalt  }
0x3f: {  	_ =	shalt  }
0x40: {  	_ =	shalt  }
0x41: {  	_ =	shalt  }
0x42: {  	_ =	shalt  }
0x43: {  	_ =	shalt  }
0x44: {  	_ =	shalt  }
0x45: {  	_ =	shalt  }
0x46: {  	_ =	shalt  }
0x47: {  	_ =	shalt  }
0x48: {  	_ =	shalt  }
0x49: {  	_ =	shalt  }
0x4a: {  	_ =	shalt  }
0x4b: {  	_ =	shalt  }
0x4c: {  	_ =	shalt  }
0x4d: {  	_ =	shalt  }
0x4e: {  	_ =	shalt  }
0x4f: {  	_ =	shalt  }
0x50: {  	_ =	shalt  }
0x51: {  	_ =	shalt  }
0x52: {  	_ =	shalt  }
0x53: {  	_ =	shalt  }
0x54: {  	_ =	shalt  }
0x55: {  	_ =	shalt  }
0x56: {  	_ =	shalt  }
0x57: {  	_ =	shalt  }
0x58: {  	_ =	shalt  }
0x59: {  	_ =	shalt  }
0x5a: {  	_ =	shalt  }
0x5b: {  	_ =	shalt  }
0x5c: {  	_ =	shalt  }
0x5d: {  	_ =	shalt  }
0x5e: {  	_ =	shalt  }
0x5f: {  	_ =	shalt  }
0x60: {  	_ =	shalt  }
0x61: {  	_ =	shalt  }
0x62: {  	_ =	shalt  }
0x63: {  	_ =	shalt  }
0x64: {  	_ =	shalt  }
0x65: {  	_ =	shalt  }
0x66: {  	_ =	shalt  }
0x67: {  	_ =	shalt  }
0x68: {  	_ =	shalt  }
0x69: {  	_ =	shalt  }
0x6a: {  	_ =	shalt  }
0x6b: {  	_ =	shalt  }
0x6c: {  	_ =	shalt  }
0x6d: {  	_ =	shalt  }
0x6e: {  	_ =	shalt  }
0x6f: {  	_ =	shalt  }
0x70: {  	_ =	shalt  }
0x71: {  	_ =	shalt  }
0x72: {  	_ =	shalt  }
0x73: {  	_ =	shalt  }
0x74: {  	_ =	shalt  }
0x75: {  	_ =	shalt  }
0x76: {  	_ =	shalt  }
0x77: {  	_ =	shalt  }
0x78: {  	_ =	shalt  }
0x79: {  	_ =	shalt  }
0x7a: {  	_ =	shalt  }
0x7b: {  	_ =	shalt  }
0x7c: {  	_ =	shalt  }
0x7d: {  	_ =	shalt  }
0x7e: {  	_ =	shalt  }
0x7f: {  	_ =	shalt  }
0x80: {  	_ =	shalt  }
0x81: {  	_ =	shalt  }
0x82: {  	_ =	shalt  }
0x83: {  	_ =	shalt  }
0x84: {  	_ =	shalt  }
0x85: {  	_ =	shalt  }
0x86: {  	_ =	shalt  }
0x87: {  	_ =	shalt  }
.Lfunc_end0:
.L_simem_size_0:
called_computation_lowered:
.L_overlay_start_0:
0x88: {  	s2 =	sld [smem:$0x3FD9]  }
0x89: {  	s3 =	sld [smem:$0x3FFE];
	_ =	sdelay $0x1  }
0x8a: {  	s1 =	srdreg.scid  }
0x8b: {  	s0 =	sand.u32 $0x1, s1  }
0x8c: {  	s17 =	sshll.u32 s0, $0xA;
	s2 =	sadd.s32 s3, s2  }
0x8d: {  	s2 =	sadd.s32 s2, s17  }
0x8e: {  	[smem:$0x3FC5] =	sst s2  }
0x8f: {  	_ = 	snop  }
0x90: {  	s2 =	sld [smem:$0x3FC8];
	(tm) =	ssettm $0x1  }
0x91: {  	s18 =	sld [smem:$0x3FFB];
	_ =	sdelay $0x3  }
0x92: {  	_ =	strace s18  }
0x93: {  	s3 =	sld [smem:$0x3FFC];
	_ =	sdelay $0x3  }
0x94: {  	_ =	strace s3  }
0x95: {  	s3 =	sld [smem:$0x3FFD];
	_ =	sdelay $0x3  }
0x96: {  	_ =	strace s3  }
0x97: {  	_ =	strace $0x8FFFFFFF  }
0x98: {  	s19 =	sld [smem:$0x3FDB];
	_ =	sdelay $0x1  }
0x99: {  	s4 =	simm.s32 $_scs_section_size  }
0x9a: {  	s5 =	simm.s32 $_size__tile_overlayer_lowered;
	s6 =	simm.s32 $_tile_overlayer_lowered  }
0x9b: {  	s22 =	simm.s32 $0x1BFF;
	s21 =	sshll.u32 s6, $0x1;
	s3 =	sadd.s32 s4, s19  }
0x9c: {  	s7 =	simm.s32 $0x0;
	s20 =	sshll.u32 s5, $0x1;
	s5 =	sadd.s32 s21, s3  }
0x9d: {  	[timem:s7], [sflag:s22] =	dma.local [hbm:s5], s20  }
0x9e: {  	_ =	swait.ge [sflag:s22], s20  }
0x9f: {  	s4 =	ssub.s32 $0x0, s20;
	[sflag:s22] =	ssyncset.done $0x0  }
0xa0: {  	[sflag:s22] =	ssyncadd.s32 s4;
	_ =	sdelay $0x1  }
0xa1: {  	s23 =	simm.s32 $0x1B8B  }
0xa2: {  	_ =	swait.ge [sflag:s23], $0x1  }
0xa3: {  	[sflag:s23] =	ssyncset.done $0x0  }
0xa4: {  	s25 =	simm.s32 $0x1B8E;
	s24 =	sld [smem:$0x3FFE];
	[sflag:s23] =	ssyncadd.s32 $0xFFFFFFFF  }
0xa5: {  	s26 =	simm.s32 $execute0_lowered;
	[smem:$0x3FD2] =	sst s25  }
0xa6: {  	s5 =	sshll.u32 s26, $0x1;
	_ =	strace $0x80000046;
	[dreg:$0x1] =	wrdreg $0xFFFFFFFF  }
0xa7: {  	s28 =	simm.s32 $_size_execute0_lowered;
	s3 =	sadd.s32 s3, s5;
	[dreg:$0x0] =	wrdreg $0x0  }
0xa8: {  	s5 =	sshll.u32 s28, $0x1;
	[dreg:$0x2] =	wrdreg s3  }
0xa9: {  	[dreg:$0x3] =	wrdreg s5  }
0xaa: {  	[dreg:$0x4] =	wrdreg $0xC0  }
0xab: {  	_ =	task [dreg:s7], $0x5FFFF  }
0xac: {  	[dreg:$0x1] =	wrdreg $0xFFFFFFFF  }
0xad: {  	[dreg:$0x0] =	wrdreg $0x60  }
0xae: {  	[dreg:$0x2] =	wrdreg s2  }
0xaf: {  	[dreg:$0x3] =	wrdreg s24  }
0xb0: {  	[dreg:$0x4] =	wrdreg $0x9  }
0xb1: {  	_ =	task.clear_ibuf [dreg:s7], $0x5FFFF;
	_ =	strace $0x90000046  }
0xb2: {  	s29 =	simm.s32 $0x9;
	_ =	strace $0x80000048  }
0xb3: {  	_ =	swait.ge [sflag:s29], $0x1  }
0xb4: {  	[sflag:s29] =	ssyncadd.s32 $0xFFFFFFFF  }
0xb5: {  	_ =	strace $0x90000048  }
0xb6: {  	_ =	sfence  }
0xb7: {  	s30 =	sld [smem:$0x0];
	_ =	sdelay $0x2  }
0xb8: {  	s31 =	sshll.u32 s1, $0xD;
	s1 =	sshrl.u32 s1, $0x2  }
0xb9: {  	s3 =	sand.u32 $0x4000, s31;
	s1 =	sadd.s32 s1, s30  }
0xba: {  	s0 =	sor.u32 s3, s0;
	s1 =	sshll.u32 s1, $0x11  }
0xbb: {  	s0 =	sor.u32 s1, s0  }
0xbc: {  	s0 =	sadd.s32 $0x8F2B, s0  }
0xbd: {  	[sflag:s0] =	ssyncadd.remote.s32 $0x1  }
0xbe: {  	_ =	sfence.sel $0xFFFF  }
0xbf: {  	[dreg:$0x0] =	wrdreg $0xFFFFFFFF;
	(pc) =	sbr.abs _section_cstart, $3  }
0xc0: {  	[dreg:$0x1] =	wrdreg $0xFFFFFFFF  }
0xc1: {  	_ =	task.clear_ibuf [dreg:s7], $0x2FFFF;
	_ =	strace $0x9FFFFFFF  }
0xc2: {  	(tm) =	ssettm $0x7FFFFFFF  }
0xc3: {  	_ =	shalt  }
tec
execute0_lowered:
.L_overlay_start_1:
0x0: {  	(tag) =	ssettag $0x1  }
0x1: {  	s1 =	srdreg.scid;
	s0 =	stileid.u32  }
0x2: {  	s30 =	sand.u32 $0x1, s1;
	s23 =	sshll.u32 s0, $0x1  }
0x3: {  	s1 =	sor.u32 s30, s23  }
0x4: {  	s4 =	smul.u32 $0xC0000, s1;
	_ =	sdelay $0x1  }
0x5: {  	s3 =	rddreg [dreg:$0x0];
	s4 =	sshrl.u32 s4, $0x3  }
0x6: {  	s29 =	rddreg [dreg:$0x1];
	s2 =	simm.s32 $0x0;
	s28 =	sadd.s32 s3, s4  }
0x7: {  	[smem:$0x7FF] =	sst s2;
	s3 =	sadd.s32 $0x500000, s28  }
0x8: {  	_ =	strace $0x80000047;
	s24 =	sadd.s32 $0x500040, s28;
	[dreg:$0x3] =	wrdreg s3  }
0x9: {  	s25 =	sadd.s32 $0x502000, s28;
	[dreg:$0x4] =	wrdreg s24  }
0xa: {  	s6 =	sadd.s32 $0x502040, s28;
	[dreg:$0x5] =	wrdreg s25  }
0xb: {  	[dreg:$0x6] =	wrdreg s6  }
0xc: {  	s4 =	simm.s32 $0x400;
	s3 =	simm.s32 $0x200;
	s5 =	rddreg [dreg:$0x3]  }
0xd: {  	[tilespmem:s2], [sflag:$0x1] =	stream.strided.gather [hbm4b:s5+s3], $0x8000, s4, s3, $0x38;
	[tilespmem:$0x10080] =	vst v63  }
0xe: {  	s6 =	simm.s32 $0x1;
	s7 =	rddreg [dreg:$0x4];
	s5 =	simm.s32 $0x8000  }
0xf: {  	[tilespmem:s5], [sflag:$0x2] =	stream.strided.gather [hbm4b:s7+s3], $0x8000, s4, s3, $0x38;
	[tilespmem:$0x10080] =	vst v63  }
0x10: {  	_ =	swait.ge [sflag:s6], $0x8000  }
0x11: {  	[sflag:s6] =	ssyncset.done $0x0  }
0x12: {  	[sflag:s6] =	ssyncadd.s32 $0xFFFF8000  }
0x13: {  	v0 =	vld [tilespmem:$0x0];
	_ =	sdelay $0x1  }
0x14: {  	v2 =	vld [tilespmem:$0x80]  }
0x15: {  	s7 =	simm.s32 $0x2;
	s8 =	rddreg [dreg:$0x5];
	v1 =	vld [tilespmem:$0x180]  }
0x16: {  	v3 =	vld [tilespmem:$0x100];
	[tilespmem:s2], [sflag:$0x1] =	stream.strided.gather [hbm4b:s8+s3], $0x8000, s4, s3, $0x38  }
0x17: {  	_ =	swait.ge [sflag:s7], $0x8000;
	v0 =	vadd.f32 $0.0e+00, v0  }
0x18: {  	[sflag:s7] =	ssyncset.done $0x0  }
0x19: {  	[sflag:s7] =	ssyncadd.s32 $0xFFFF8000;
	v0 =	vadd.f32 v2, v0  }
0x1a: {  	v30 =	vld [tilespmem:$0x8000]  }
0x1b: {  	v0 =	vadd.f32 v3, v0  }
0x1c: {  	v31 =	vld [tilespmem:$0x8080]  }
0x1d: {  	s26 =	rddreg [dreg:$0x6];
	v4 =	vld [tilespmem:$0x8180];
	v0 =	vadd.f32 v1, v0  }
0x1e: {  	v5 =	vld [tilespmem:$0x8100];
	[tilespmem:s5], [sflag:$0x2] =	stream.strided.gather [hbm4b:s26+s3], $0x8000, s4, s3, $0x38  }
0x1f: {  	_ =	swait.ge [sflag:s6], $0x8000;
	v0 =	vadd.f32 v30, v0  }
0x20: {  	[sflag:s6] =	ssyncset.done $0x0  }
0x21: {  	[sflag:s6] =	ssyncadd.s32 $0xFFFF8000;
	v0 =	vadd.f32 v31, v0  }
0x22: {  	v32 =	vld [tilespmem:$0x0]  }
0x23: {  	v0 =	vadd.f32 v5, v0  }
0x24: {  	v34 =	vld [tilespmem:$0x80]  }
0x25: {  	s8 =	sadd.s32 $0x504000, s28;
	v33 =	vld [tilespmem:$0x100];
	v0 =	vadd.f32 v4, v0  }
0x26: {  	v35 =	vld [tilespmem:$0x180];
	[tilespmem:s2], [sflag:$0x1] =	stream.strided.gather [hbm4b:s8+s3], $0x8000, s4, s3, $0x38  }
0x27: {  	_ =	swait.ge [sflag:s7], $0x8000;
	v0 =	vadd.f32 v32, v0  }
0x28: {  	[sflag:s7] =	ssyncset.done $0x0  }
0x29: {  	[sflag:s7] =	ssyncadd.s32 $0xFFFF8000;
	v0 =	vadd.f32 v34, v0  }
0x2a: {  	v36 =	vld [tilespmem:$0x8000]  }
0x2b: {  	v0 =	vadd.f32 v33, v0  }
0x2c: {  	v38 =	vld [tilespmem:$0x8080]  }
0x2d: {  	s9 =	sadd.s32 $0x504040, s28;
	v37 =	vld [tilespmem:$0x8100];
	v0 =	vadd.f32 v35, v0  }
0x2e: {  	v39 =	vld [tilespmem:$0x8180];
	[tilespmem:s5], [sflag:$0x2] =	stream.strided.gather [hbm4b:s9+s3], $0x8000, s4, s3, $0x38  }
0x2f: {  	_ =	swait.ge [sflag:s6], $0x8000;
	v0 =	vadd.f32 v36, v0  }
0x30: {  	[sflag:s6] =	ssyncset.done $0x0  }
0x31: {  	[sflag:s6] =	ssyncadd.s32 $0xFFFF8000;
	v0 =	vadd.f32 v38, v0  }
0x32: {  	v40 =	vld [tilespmem:$0x0]  }
0x33: {  	v0 =	vadd.f32 v37, v0  }
0x34: {  	v42 =	vld [tilespmem:$0x80]  }
0x35: {  	s10 =	sadd.s32 $0x506000, s28;
	v41 =	vld [tilespmem:$0x100];
	v0 =	vadd.f32 v39, v0  }
0x36: {  	v43 =	vld [tilespmem:$0x180];
	[tilespmem:s2], [sflag:$0x1] =	stream.strided.gather [hbm4b:s10+s3], $0x8000, s4, s3, $0x38  }
0x37: {  	_ =	swait.ge [sflag:s7], $0x8000;
	v0 =	vadd.f32 v40, v0  }
0x38: {  	[sflag:s7] =	ssyncset.done $0x0  }
0x39: {  	[sflag:s7] =	ssyncadd.s32 $0xFFFF8000;
	v0 =	vadd.f32 v42, v0  }
0x3a: {  	v44 =	vld [tilespmem:$0x8000]  }
0x3b: {  	v0 =	vadd.f32 v41, v0  }
0x3c: {  	v46 =	vld [tilespmem:$0x8080]  }
0x3d: {  	s11 =	sadd.s32 $0x506040, s28;
	v45 =	vld [tilespmem:$0x8100];
	v0 =	vadd.f32 v43, v0  }
0x3e: {  	v47 =	vld [tilespmem:$0x8180];
	[tilespmem:s5], [sflag:$0x2] =	stream.strided.gather [hbm4b:s11+s3], $0x8000, s4, s3, $0x38  }
0x3f: {  	_ =	swait.ge [sflag:s6], $0x8000;
	v0 =	vadd.f32 v44, v0  }
0x40: {  	[sflag:s6] =	ssyncset.done $0x0  }
0x41: {  	[sflag:s6] =	ssyncadd.s32 $0xFFFF8000;
	v0 =	vadd.f32 v46, v0  }
0x42: {  	v48 =	vld [tilespmem:$0x0]  }
0x43: {  	v0 =	vadd.f32 v45, v0  }
0x44: {  	v50 =	vld [tilespmem:$0x80]  }
0x45: {  	s12 =	sadd.s32 $0x508000, s28;
	v49 =	vld [tilespmem:$0x100];
	v0 =	vadd.f32 v47, v0  }
0x46: {  	v51 =	vld [tilespmem:$0x180];
	[tilespmem:s2], [sflag:$0x1] =	stream.strided.gather [hbm4b:s12+s3], $0x8000, s4, s3, $0x38  }
0x47: {  	_ =	swait.ge [sflag:s7], $0x8000;
	v0 =	vadd.f32 v48, v0  }
0x48: {  	[sflag:s7] =	ssyncset.done $0x0  }
0x49: {  	[sflag:s7] =	ssyncadd.s32 $0xFFFF8000;
	v0 =	vadd.f32 v50, v0  }
0x4a: {  	v52 =	vld [tilespmem:$0x8000]  }
0x4b: {  	v0 =	vadd.f32 v49, v0  }
0x4c: {  	v54 =	vld [tilespmem:$0x8080]  }
0x4d: {  	s13 =	sadd.s32 $0x508040, s28;
	v53 =	vld [tilespmem:$0x8100];
	v0 =	vadd.f32 v51, v0  }
0x4e: {  	v55 =	vld [tilespmem:$0x8180];
	[tilespmem:s5], [sflag:$0x2] =	stream.strided.gather [hbm4b:s13+s3], $0x8000, s4, s3, $0x38  }
0x4f: {  	_ =	swait.ge [sflag:s6], $0x8000;
	v0 =	vadd.f32 v52, v0  }
0x50: {  	[sflag:s6] =	ssyncset.done $0x0  }
0x51: {  	[sflag:s6] =	ssyncadd.s32 $0xFFFF8000;
	v0 =	vadd.f32 v54, v0  }
0x52: {  	v56 =	vld [tilespmem:$0x0]  }
0x53: {  	v0 =	vadd.f32 v53, v0  }
0x54: {  	v58 =	vld [tilespmem:$0x80]  }
0x55: {  	s14 =	sadd.s32 $0x50A000, s28;
	v57 =	vld [tilespmem:$0x100];
	v0 =	vadd.f32 v55, v0  }
0x56: {  	v59 =	vld [tilespmem:$0x180];
	[tilespmem:s2], [sflag:$0x1] =	stream.strided.gather [hbm4b:s14+s3], $0x8000, s4, s3, $0x38  }
0x57: {  	_ =	swait.ge [sflag:s7], $0x8000;
	v0 =	vadd.f32 v56, v0  }
0x58: {  	[sflag:s7] =	ssyncset.done $0x0  }
0x59: {  	[sflag:s7] =	ssyncadd.s32 $0xFFFF8000;
	v0 =	vadd.f32 v58, v0  }
0x5a: {  	v60 =	vld [tilespmem:$0x8000]  }
0x5b: {  	v0 =	vadd.f32 v57, v0  }
0x5c: {  	v62 =	vld [tilespmem:$0x8080]  }
0x5d: {  	s15 =	sadd.s32 $0x50A040, s28;
	v61 =	vld [tilespmem:$0x8100];
	v0 =	vadd.f32 v59, v0  }
0x5e: {  	v63 =	vld [tilespmem:$0x8180];
	[tilespmem:s5], [sflag:$0x2] =	stream.strided.gather [hbm4b:s15+s3], $0x8000, s4, s3, $0x38  }
0x5f: {  	_ =	swait.ge [sflag:s6], $0x8000;
	v0 =	vadd.f32 v60, v0  }
0x60: {  	[sflag:s6] =	ssyncset.done $0x0  }
0x61: {  	[sflag:s6] =	ssyncadd.s32 $0xFFFF8000;
	v0 =	vadd.f32 v62, v0  }
0x62: {  	v8 =	vld [tilespmem:$0x0]  }
0x63: {  	v0 =	vadd.f32 v61, v0  }
0x64: {  	v10 =	vld [tilespmem:$0x80]  }
0x65: {  	s16 =	sadd.s32 $0x50C000, s28;
	v9 =	vld [tilespmem:$0x100];
	v0 =	vadd.f32 v63, v0  }
0x66: {  	v11 =	vld [tilespmem:$0x180];
	[tilespmem:s2], [sflag:$0x1] =	stream.strided.gather [hbm4b:s16+s3], $0x8000, s4, s3, $0x38  }
0x67: {  	_ =	swait.ge [sflag:s7], $0x8000;
	v0 =	vadd.f32 v8, v0  }
0x68: {  	[sflag:s7] =	ssyncset.done $0x0  }
0x69: {  	[sflag:s7] =	ssyncadd.s32 $0xFFFF8000;
	v0 =	vadd.f32 v10, v0  }
0x6a: {  	v12 =	vld [tilespmem:$0x8000]  }
0x6b: {  	v0 =	vadd.f32 v9, v0  }
0x6c: {  	v14 =	vld [tilespmem:$0x8080]  }
0x6d: {  	s17 =	sadd.s32 $0x50C040, s28;
	v13 =	vld [tilespmem:$0x8100];
	v0 =	vadd.f32 v11, v0  }
0x6e: {  	v15 =	vld [tilespmem:$0x8180];
	[tilespmem:s5], [sflag:$0x2] =	stream.strided.gather [hbm4b:s17+s3], $0x8000, s4, s3, $0x38  }
0x6f: {  	_ =	swait.ge [sflag:s6], $0x8000;
	v0 =	vadd.f32 v12, v0  }
0x70: {  	[sflag:s6] =	ssyncset.done $0x0  }
0x71: {  	[sflag:s6] =	ssyncadd.s32 $0xFFFF8000;
	v0 =	vadd.f32 v14, v0  }
0x72: {  	v16 =	vld [tilespmem:$0x0]  }
0x73: {  	v0 =	vadd.f32 v13, v0  }
0x74: {  	v18 =	vld [tilespmem:$0x80]  }
0x75: {  	s18 =	sadd.s32 $0x50E000, s28;
	v17 =	vld [tilespmem:$0x100];
	v0 =	vadd.f32 v15, v0  }
0x76: {  	v19 =	vld [tilespmem:$0x180];
	[tilespmem:s2], [sflag:$0x1] =	stream.strided.gather [hbm4b:s18+s3], $0x8000, s4, s3, $0x38  }
0x77: {  	_ =	swait.ge [sflag:s7], $0x8000;
	v0 =	vadd.f32 v16, v0  }
0x78: {  	[sflag:s7] =	ssyncset.done $0x0  }
0x79: {  	[sflag:s7] =	ssyncadd.s32 $0xFFFF8000;
	v0 =	vadd.f32 v18, v0  }
0x7a: {  	v20 =	vld [tilespmem:$0x8000]  }
0x7b: {  	v0 =	vadd.f32 v17, v0  }
0x7c: {  	v22 =	vld [tilespmem:$0x8080]  }
0x7d: {  	s19 =	sadd.s32 $0x50E040, s28;
	v21 =	vld [tilespmem:$0x8100];
	v0 =	vadd.f32 v19, v0  }
0x7e: {  	v23 =	vld [tilespmem:$0x8180];
	[tilespmem:s5], [sflag:$0x2] =	stream.strided.gather [hbm4b:s19+s3], $0x8000, s4, s3, $0x38  }
0x7f: {  	_ =	swait.ge [sflag:s6], $0x8000;
	v0 =	vadd.f32 v20, v0  }
0x80: {  	[sflag:s6] =	ssyncset.done $0x0  }
0x81: {  	[sflag:s6] =	ssyncadd.s32 $0xFFFF8000;
	v0 =	vadd.f32 v22, v0  }
0x82: {  	v24 =	vld [tilespmem:$0x0]  }
0x83: {  	v0 =	vadd.f32 v21, v0  }
0x84: {  	v26 =	vld [tilespmem:$0x80]  }
0x85: {  	s20 =	sadd.s32 $0x510000, s28;
	v25 =	vld [tilespmem:$0x180];
	v0 =	vadd.f32 v23, v0  }
0x86: {  	v27 =	vld [tilespmem:$0x100];
	[tilespmem:s2], [sflag:$0x1] =	stream.strided.gather [hbm4b:s20+s3], $0x8000, s4, s3, $0x38  }
0x87: {  	_ =	swait.ge [sflag:s7], $0x8000;
	v0 =	vadd.f32 v24, v0  }
0x88: {  	[sflag:s7] =	ssyncset.done $0x0  }
0x89: {  	[sflag:s7] =	ssyncadd.s32 $0xFFFF8000;
	v0 =	vadd.f32 v26, v0  }
0x8a: {  	v28 =	vld [tilespmem:$0x8000]  }
0x8b: {  	v0 =	vadd.f32 v27, v0  }
0x8c: {  	v30 =	vld [tilespmem:$0x8080]  }
0x8d: {  	s21 =	sadd.s32 $0x510040, s28;
	v29 =	vld [tilespmem:$0x8100];
	v0 =	vadd.f32 v25, v0  }
0x8e: {  	v31 =	vld [tilespmem:$0x8180];
	[tilespmem:s5], [sflag:$0x2] =	stream.strided.gather [hbm4b:s21+s3], $0x8000, s4, s3, $0x38  }
0x8f: {  	_ =	swait.ge [sflag:s6], $0x8000;
	v0 =	vadd.f32 v28, v0  }
0x90: {  	[sflag:s6] =	ssyncset.done $0x0  }
0x91: {  	[sflag:s6] =	ssyncadd.s32 $0xFFFF8000;
	v0 =	vadd.f32 v30, v0  }
0x92: {  	v32 =	vld [tilespmem:$0x0]  }
0x93: {  	v0 =	vadd.f32 v29, v0  }
0x94: {  	v34 =	vld [tilespmem:$0x80]  }
0x95: {  	s22 =	sadd.s32 $0x512000, s28;
	v33 =	vld [tilespmem:$0x100];
	v0 =	vadd.f32 v31, v0  }
0x96: {  	v35 =	vld [tilespmem:$0x180];
	[tilespmem:s2], [sflag:$0x1] =	stream.strided.gather [hbm4b:s22+s3], $0x8000, s4, s3, $0x38  }
0x97: {  	_ =	swait.ge [sflag:s7], $0x8000;
	v0 =	vadd.f32 v32, v0  }
0x98: {  	[sflag:s7] =	ssyncset.done $0x0  }
0x99: {  	[sflag:s7] =	ssyncadd.s32 $0xFFFF8000;
	v0 =	vadd.f32 v34, v0  }
0x9a: {  	v36 =	vld [tilespmem:$0x8000]  }
0x9b: {  	v0 =	vadd.f32 v33, v0  }
0x9c: {  	v38 =	vld [tilespmem:$0x8080]  }
0x9d: {  	s23 =	sadd.s32 $0x512040, s28;
	v37 =	vld [tilespmem:$0x8100];
	v0 =	vadd.f32 v35, v0  }
0x9e: {  	v39 =	vld [tilespmem:$0x8180];
	[tilespmem:s5], [sflag:$0x2] =	stream.strided.gather [hbm4b:s23+s3], $0x8000, s4, s3, $0x38  }
0x9f: {  	_ =	swait.ge [sflag:s6], $0x8000;
	v0 =	vadd.f32 v36, v0  }
0xa0: {  	[sflag:s6] =	ssyncset.done $0x0  }
0xa1: {  	[sflag:s6] =	ssyncadd.s32 $0xFFFF8000;
	v0 =	vadd.f32 v38, v0  }
0xa2: {  	v40 =	vld [tilespmem:$0x0]  }
0xa3: {  	v0 =	vadd.f32 v37, v0  }
0xa4: {  	v42 =	vld [tilespmem:$0x80]  }
0xa5: {  	s24 =	sadd.s32 $0x514000, s28;
	v41 =	vld [tilespmem:$0x100];
	v0 =	vadd.f32 v39, v0  }
0xa6: {  	v43 =	vld [tilespmem:$0x180];
	[tilespmem:s2], [sflag:$0x1] =	stream.strided.gather [hbm4b:s24+s3], $0x8000, s4, s3, $0x38  }
0xa7: {  	_ =	swait.ge [sflag:s7], $0x8000;
	v0 =	vadd.f32 v40, v0  }
0xa8: {  	[sflag:s7] =	ssyncset.done $0x0  }
0xa9: {  	[sflag:s7] =	ssyncadd.s32 $0xFFFF8000;
	v0 =	vadd.f32 v42, v0  }
0xaa: {  	v44 =	vld [tilespmem:$0x8000]  }
0xab: {  	v0 =	vadd.f32 v41, v0  }
0xac: {  	v46 =	vld [tilespmem:$0x8080]  }
0xad: {  	s25 =	sadd.s32 $0x514040, s28;
	v45 =	vld [tilespmem:$0x8100];
	v0 =	vadd.f32 v43, v0  }
0xae: {  	v47 =	vld [tilespmem:$0x8180];
	[tilespmem:s5], [sflag:$0x2] =	stream.strided.gather [hbm4b:s25+s3], $0x8000, s4, s3, $0x38  }
0xaf: {  	_ =	swait.ge [sflag:s6], $0x8000;
	v0 =	vadd.f32 v44, v0  }
0xb0: {  	[sflag:s6] =	ssyncset.done $0x0  }
0xb1: {  	[sflag:s6] =	ssyncadd.s32 $0xFFFF8000;
	v0 =	vadd.f32 v46, v0  }
0xb2: {  	v48 =	vld [tilespmem:$0x0]  }
0xb3: {  	v0 =	vadd.f32 v45, v0  }
0xb4: {  	v49 =	vld [tilespmem:$0x80]  }
0xb5: {  	s26 =	sadd.s32 $0x516000, s28;
	v50 =	vld [tilespmem:$0x100];
	v0 =	vadd.f32 v47, v0  }
0xb6: {  	v51 =	vld [tilespmem:$0x180];
	[tilespmem:s2], [sflag:$0x1] =	stream.strided.gather [hbm4b:s26+s3], $0x8000, s4, s3, $0x38  }
0xb7: {  	_ =	swait.ge [sflag:s7], $0x8000;
	v0 =	vadd.f32 v48, v0  }
0xb8: {  	[sflag:s7] =	ssyncset.done $0x0  }
0xb9: {  	[sflag:s7] =	ssyncadd.s32 $0xFFFF8000;
	v0 =	vadd.f32 v49, v0  }
0xba: {  	v52 =	vld [tilespmem:$0x8000]  }
0xbb: {  	v0 =	vadd.f32 v50, v0  }
0xbc: {  	v54 =	vld [tilespmem:$0x8080]  }
0xbd: {  	s28 =	sadd.s32 $0x516040, s28;
	v53 =	vld [tilespmem:$0x8100];
	v0 =	vadd.f32 v51, v0  }
0xbe: {  	v55 =	vld [tilespmem:$0x8180];
	[tilespmem:s5], [sflag:$0x2] =	stream.strided.gather [hbm4b:s28+s3], $0x8000, s4, s3, $0x38  }
0xbf: {  	_ =	swait.ge [sflag:s6], $0x8000;
	v0 =	vadd.f32 v52, v0  }
0xc0: {  	[sflag:s6] =	ssyncset.done $0x0  }
0xc1: {  	[sflag:s6] =	ssyncadd.s32 $0xFFFF8000;
	v0 =	vadd.f32 v54, v0  }
0xc2: {  	v56 =	vld [tilespmem:$0x0]  }
0xc3: {  	v0 =	vadd.f32 v53, v0  }
0xc4: {  	v57 =	vld [tilespmem:$0x80]  }
0xc5: {  	v0 =	vadd.f32 v55, v0  }
0xc6: {  	v58 =	vld [tilespmem:$0x100]  }
0xc7: {  	v59 =	vld [tilespmem:$0x180];
	_ =	swait.ge [sflag:s7], $0x8000;
	v0 =	vadd.f32 v56, v0  }
0xc8: {  	[sflag:s7] =	ssyncset.done $0x0  }
0xc9: {  	[sflag:s7] =	ssyncadd.s32 $0xFFFF8000;
	v0 =	vadd.f32 v57, v0  }
0xca: {  	v60 =	vld [tilespmem:$0x8000]  }
0xcb: {  	v0 =	vadd.f32 v58, v0  }
0xcc: {  	v61 =	vld [tilespmem:$0x8080]  }
0xcd: {  	v0 =	vadd.f32 v59, v0  }
0xce: {  	v62 =	vld [tilespmem:$0x8100]  }
0xcf: {  	s30 =	ssub.s32 $0x2, s30;
	v0 =	vadd.f32 v60, v0  }
0xd0: {  	s31 =	sshrl.u32 s30, $0x1;
	v63 =	vld [tilespmem:$0x8180]  }
0xd1: {  	s1 =	sshll.u32 s1, $0x1;
	s30 =	ssub.s32 s30, s31;
	v0 =	vadd.f32 v61, v0  }
0xd2: {  	s29 =	sadd.s32 s29, s1;
	s1 =	smax.u32 s30, $0x1  }
0xd3: {  	p0 =	sne.s32 s1, $0x1;
	v0 =	vadd.f32 v62, v0  }
.Ltmp0:
0xd4: {  	_ = 	snop;
	(pc) =	sbr.rel @!p0 .LBB2_2-.Ltmp0, $3  }
0xd5: {  	v0 =	vadd.f32 v63, v0;
	_ =	sdelay $0x1  }
0xd6: {  	s31 =	simm.s32 $0x3;
	s30 =	simm.s32 $0x10000;
	s1 =	sadd.s32 $0xFFFFFFFF, s1;
	[tilespmem:$0x10000] =	vst v0  }
0xd7: {  	[hbm4b:s29+s2] =	stream.linear.scatter [tilespmem:s30], [sflag:$0x3], $0x10, $0x38;
	[tilespmem:$0x10080] =	vst v63  }
.LBB2_1:
0xd8: {  	_ =	swait.ge [sflag:s31], $0x10  }
0xd9: {  	[sflag:s31] =	ssyncset.done $0x0  }
0xda: {  	s0 =	rddreg [dreg:$0x3];
	[sflag:s31] =	ssyncadd.s32 $0xFFFFFFF0  }
0xdb: {  	[tilespmem:s2], [sflag:$0x1] =	stream.strided.gather [hbm4b:s0+s3], $0x8000, s4, s3, $0x38;
	[tilespmem:$0x10080] =	vst v63  }
0xdc: {  	s30 =	rddreg [dreg:$0x4]  }
0xdd: {  	[tilespmem:s5], [sflag:$0x2] =	stream.strided.gather [hbm4b:s30+s3], $0x8000, s4, s3, $0x38;
	[tilespmem:$0x10080] =	vst v63  }
0xde: {  	_ =	swait.ge [sflag:s6], $0x8000  }
0xdf: {  	[sflag:s6] =	ssyncset.done $0x0  }
0xe0: {  	[sflag:s6] =	ssyncadd.s32 $0xFFFF8000  }
0xe1: {  	v2 =	vld [tilespmem:$0x0];
	_ =	sdelay $0x1  }
0xe2: {  	v1 =	vld [tilespmem:$0x80]  }
0xe3: {  	s30 =	rddreg [dreg:$0x5];
	v0 =	vld [tilespmem:$0x180]  }
0xe4: {  	v3 =	vld [tilespmem:$0x100];
	[tilespmem:s2], [sflag:$0x1] =	stream.strided.gather [hbm4b:s30+s3], $0x8000, s4, s3, $0x38  }
0xe5: {  	_ =	swait.ge [sflag:s7], $0x8000;
	v2 =	vadd.f32 $0.0e+00, v2  }
0xe6: {  	[sflag:s7] =	ssyncset.done $0x0  }
0xe7: {  	[sflag:s7] =	ssyncadd.s32 $0xFFFF8000;
	v1 =	vadd.f32 v1, v2  }
0xe8: {  	v30 =	vld [tilespmem:$0x8000]  }
0xe9: {  	v1 =	vadd.f32 v3, v1  }
0xea: {  	v5 =	vld [tilespmem:$0x8080]  }
0xeb: {  	s30 =	rddreg [dreg:$0x6];
	v4 =	vld [tilespmem:$0x8180];
	v0 =	vadd.f32 v0, v1  }
0xec: {  	v6 =	vld [tilespmem:$0x8100];
	[tilespmem:s5], [sflag:$0x2] =	stream.strided.gather [hbm4b:s30+s3], $0x8000, s4, s3, $0x38  }
0xed: {  	_ =	swait.ge [sflag:s6], $0x8000;
	v0 =	vadd.f32 v30, v0  }
0xee: {  	[sflag:s6] =	ssyncset.done $0x0  }
0xef: {  	[sflag:s6] =	ssyncadd.s32 $0xFFFF8000;
	v0 =	vadd.f32 v5, v0  }
0xf0: {  	v33 =	vld [tilespmem:$0x0]  }
0xf1: {  	v0 =	vadd.f32 v6, v0  }
0xf2: {  	v32 =	vld [tilespmem:$0x80]  }
0xf3: {  	v31 =	vld [tilespmem:$0x100];
	v0 =	vadd.f32 v4, v0  }
0xf4: {  	v34 =	vld [tilespmem:$0x180];
	[tilespmem:s2], [sflag:$0x1] =	stream.strided.gather [hbm4b:s8+s3], $0x8000, s4, s3, $0x38  }
0xf5: {  	_ =	swait.ge [sflag:s7], $0x8000;
	v0 =	vadd.f32 v33, v0  }
0xf6: {  	[sflag:s7] =	ssyncset.done $0x0  }
0xf7: {  	[sflag:s7] =	ssyncadd.s32 $0xFFFF8000;
	v0 =	vadd.f32 v32, v0  }
0xf8: {  	v37 =	vld [tilespmem:$0x8000]  }
0xf9: {  	v0 =	vadd.f32 v31, v0  }
0xfa: {  	v36 =	vld [tilespmem:$0x8080]  }
0xfb: {  	v35 =	vld [tilespmem:$0x8100];
	v0 =	vadd.f32 v34, v0  }
0xfc: {  	v38 =	vld [tilespmem:$0x8180];
	[tilespmem:s5], [sflag:$0x2] =	stream.strided.gather [hbm4b:s9+s3], $0x8000, s4, s3, $0x38  }
0xfd: {  	_ =	swait.ge [sflag:s6], $0x8000;
	v0 =	vadd.f32 v37, v0  }
0xfe: {  	[sflag:s6] =	ssyncset.done $0x0  }
0xff: {  	[sflag:s6] =	ssyncadd.s32 $0xFFFF8000;
	v0 =	vadd.f32 v36, v0  }
0x100: {  	v41 =	vld [tilespmem:$0x0]  }
0x101: {  	v0 =	vadd.f32 v35, v0  }
0x102: {  	v40 =	vld [tilespmem:$0x80]  }
0x103: {  	v39 =	vld [tilespmem:$0x100];
	v0 =	vadd.f32 v38, v0  }
0x104: {  	v42 =	vld [tilespmem:$0x180];
	[tilespmem:s2], [sflag:$0x1] =	stream.strided.gather [hbm4b:s10+s3], $0x8000, s4, s3, $0x38  }
0x105: {  	_ =	swait.ge [sflag:s7], $0x8000;
	v0 =	vadd.f32 v41, v0  }
0x106: {  	[sflag:s7] =	ssyncset.done $0x0  }
0x107: {  	[sflag:s7] =	ssyncadd.s32 $0xFFFF8000;
	v0 =	vadd.f32 v40, v0  }
0x108: {  	v45 =	vld [tilespmem:$0x8000]  }
0x109: {  	v0 =	vadd.f32 v39, v0  }
0x10a: {  	v44 =	vld [tilespmem:$0x8080]  }
0x10b: {  	v43 =	vld [tilespmem:$0x8100];
	v0 =	vadd.f32 v42, v0  }
0x10c: {  	v46 =	vld [tilespmem:$0x8180];
	[tilespmem:s5], [sflag:$0x2] =	stream.strided.gather [hbm4b:s11+s3], $0x8000, s4, s3, $0x38  }
0x10d: {  	_ =	swait.ge [sflag:s6], $0x8000;
	v0 =	vadd.f32 v45, v0  }
0x10e: {  	[sflag:s6] =	ssyncset.done $0x0  }
0x10f: {  	[sflag:s6] =	ssyncadd.s32 $0xFFFF8000;
	v0 =	vadd.f32 v44, v0  }
0x110: {  	v49 =	vld [tilespmem:$0x0]  }
0x111: {  	v0 =	vadd.f32 v43, v0  }
0x112: {  	v48 =	vld [tilespmem:$0x80]  }
0x113: {  	v47 =	vld [tilespmem:$0x100];
	v0 =	vadd.f32 v46, v0  }
0x114: {  	v50 =	vld [tilespmem:$0x180];
	[tilespmem:s2], [sflag:$0x1] =	stream.strided.gather [hbm4b:s12+s3], $0x8000, s4, s3, $0x38  }
0x115: {  	_ =	swait.ge [sflag:s7], $0x8000;
	v0 =	vadd.f32 v49, v0  }
0x116: {  	[sflag:s7] =	ssyncset.done $0x0  }
0x117: {  	[sflag:s7] =	ssyncadd.s32 $0xFFFF8000;
	v0 =	vadd.f32 v48, v0  }
0x118: {  	v53 =	vld [tilespmem:$0x8000]  }
0x119: {  	v0 =	vadd.f32 v47, v0  }
0x11a: {  	v52 =	vld [tilespmem:$0x8080]  }
0x11b: {  	v51 =	vld [tilespmem:$0x8100];
	v0 =	vadd.f32 v50, v0  }
0x11c: {  	v54 =	vld [tilespmem:$0x8180];
	[tilespmem:s5], [sflag:$0x2] =	stream.strided.gather [hbm4b:s13+s3], $0x8000, s4, s3, $0x38  }
0x11d: {  	_ =	swait.ge [sflag:s6], $0x8000;
	v0 =	vadd.f32 v53, v0  }
0x11e: {  	[sflag:s6] =	ssyncset.done $0x0  }
0x11f: {  	[sflag:s6] =	ssyncadd.s32 $0xFFFF8000;
	v0 =	vadd.f32 v52, v0  }
0x120: {  	v57 =	vld [tilespmem:$0x0]  }
0x121: {  	v0 =	vadd.f32 v51, v0  }
0x122: {  	v56 =	vld [tilespmem:$0x80]  }
0x123: {  	v55 =	vld [tilespmem:$0x100];
	v0 =	vadd.f32 v54, v0  }
0x124: {  	v58 =	vld [tilespmem:$0x180];
	[tilespmem:s2], [sflag:$0x1] =	stream.strided.gather [hbm4b:s14+s3], $0x8000, s4, s3, $0x38  }
0x125: {  	_ =	swait.ge [sflag:s7], $0x8000;
	v0 =	vadd.f32 v57, v0  }
0x126: {  	[sflag:s7] =	ssyncset.done $0x0  }
0x127: {  	[sflag:s7] =	ssyncadd.s32 $0xFFFF8000;
	v0 =	vadd.f32 v56, v0  }
0x128: {  	v61 =	vld [tilespmem:$0x8000]  }
0x129: {  	v0 =	vadd.f32 v55, v0  }
0x12a: {  	v60 =	vld [tilespmem:$0x8080]  }
0x12b: {  	v59 =	vld [tilespmem:$0x8100];
	v0 =	vadd.f32 v58, v0  }
0x12c: {  	v62 =	vld [tilespmem:$0x8180];
	[tilespmem:s5], [sflag:$0x2] =	stream.strided.gather [hbm4b:s15+s3], $0x8000, s4, s3, $0x38  }
0x12d: {  	_ =	swait.ge [sflag:s6], $0x8000;
	v0 =	vadd.f32 v61, v0  }
0x12e: {  	[sflag:s6] =	ssyncset.done $0x0  }
0x12f: {  	[sflag:s6] =	ssyncadd.s32 $0xFFFF8000;
	v0 =	vadd.f32 v60, v0  }
0x130: {  	v10 =	vld [tilespmem:$0x0]  }
0x131: {  	v0 =	vadd.f32 v59, v0  }
0x132: {  	v9 =	vld [tilespmem:$0x80]  }
0x133: {  	v63 =	vld [tilespmem:$0x100];
	v0 =	vadd.f32 v62, v0  }
0x134: {  	v11 =	vld [tilespmem:$0x180];
	[tilespmem:s2], [sflag:$0x1] =	stream.strided.gather [hbm4b:s16+s3], $0x8000, s4, s3, $0x38  }
0x135: {  	_ =	swait.ge [sflag:s7], $0x8000;
	v0 =	vadd.f32 v10, v0  }
0x136: {  	[sflag:s7] =	ssyncset.done $0x0  }
0x137: {  	[sflag:s7] =	ssyncadd.s32 $0xFFFF8000;
	v0 =	vadd.f32 v9, v0  }
0x138: {  	v14 =	vld [tilespmem:$0x8000]  }
0x139: {  	v0 =	vadd.f32 v63, v0  }
0x13a: {  	v13 =	vld [tilespmem:$0x8080]  }
0x13b: {  	v12 =	vld [tilespmem:$0x8100];
	v0 =	vadd.f32 v11, v0  }
0x13c: {  	v15 =	vld [tilespmem:$0x8180];
	[tilespmem:s5], [sflag:$0x2] =	stream.strided.gather [hbm4b:s17+s3], $0x8000, s4, s3, $0x38  }
0x13d: {  	_ =	swait.ge [sflag:s6], $0x8000;
	v0 =	vadd.f32 v14, v0  }
0x13e: {  	[sflag:s6] =	ssyncset.done $0x0  }
0x13f: {  	[sflag:s6] =	ssyncadd.s32 $0xFFFF8000;
	v0 =	vadd.f32 v13, v0  }
0x140: {  	v18 =	vld [tilespmem:$0x0]  }
0x141: {  	v0 =	vadd.f32 v12, v0  }
0x142: {  	v17 =	vld [tilespmem:$0x80]  }
0x143: {  	v16 =	vld [tilespmem:$0x100];
	v0 =	vadd.f32 v15, v0  }
0x144: {  	v19 =	vld [tilespmem:$0x180];
	[tilespmem:s2], [sflag:$0x1] =	stream.strided.gather [hbm4b:s18+s3], $0x8000, s4, s3, $0x38  }
0x145: {  	_ =	swait.ge [sflag:s7], $0x8000;
	v0 =	vadd.f32 v18, v0  }
0x146: {  	[sflag:s7] =	ssyncset.done $0x0  }
0x147: {  	[sflag:s7] =	ssyncadd.s32 $0xFFFF8000;
	v0 =	vadd.f32 v17, v0  }
0x148: {  	v22 =	vld [tilespmem:$0x8000]  }
0x149: {  	v0 =	vadd.f32 v16, v0  }
0x14a: {  	v21 =	vld [tilespmem:$0x8080]  }
0x14b: {  	v20 =	vld [tilespmem:$0x8100];
	v0 =	vadd.f32 v19, v0  }
0x14c: {  	v23 =	vld [tilespmem:$0x8180];
	[tilespmem:s5], [sflag:$0x2] =	stream.strided.gather [hbm4b:s19+s3], $0x8000, s4, s3, $0x38  }
0x14d: {  	_ =	swait.ge [sflag:s6], $0x8000;
	v0 =	vadd.f32 v22, v0  }
0x14e: {  	[sflag:s6] =	ssyncset.done $0x0  }
0x14f: {  	[sflag:s6] =	ssyncadd.s32 $0xFFFF8000;
	v0 =	vadd.f32 v21, v0  }
0x150: {  	v26 =	vld [tilespmem:$0x0]  }
0x151: {  	v0 =	vadd.f32 v20, v0  }
0x152: {  	v25 =	vld [tilespmem:$0x80]  }
0x153: {  	v24 =	vld [tilespmem:$0x180];
	v0 =	vadd.f32 v23, v0  }
0x154: {  	v27 =	vld [tilespmem:$0x100];
	[tilespmem:s2], [sflag:$0x1] =	stream.strided.gather [hbm4b:s20+s3], $0x8000, s4, s3, $0x38  }
0x155: {  	_ =	swait.ge [sflag:s7], $0x8000;
	v0 =	vadd.f32 v26, v0  }
0x156: {  	[sflag:s7] =	ssyncset.done $0x0  }
0x157: {  	[sflag:s7] =	ssyncadd.s32 $0xFFFF8000;
	v0 =	vadd.f32 v25, v0  }
0x158: {  	v30 =	vld [tilespmem:$0x8000]  }
0x159: {  	v0 =	vadd.f32 v27, v0  }
0x15a: {  	v29 =	vld [tilespmem:$0x8080]  }
0x15b: {  	v28 =	vld [tilespmem:$0x8100];
	v0 =	vadd.f32 v24, v0  }
0x15c: {  	v31 =	vld [tilespmem:$0x8180];
	[tilespmem:s5], [sflag:$0x2] =	stream.strided.gather [hbm4b:s21+s3], $0x8000, s4, s3, $0x38  }
0x15d: {  	_ =	swait.ge [sflag:s6], $0x8000;
	v0 =	vadd.f32 v30, v0  }
0x15e: {  	[sflag:s6] =	ssyncset.done $0x0  }
0x15f: {  	[sflag:s6] =	ssyncadd.s32 $0xFFFF8000;
	v0 =	vadd.f32 v29, v0  }
0x160: {  	v34 =	vld [tilespmem:$0x0]  }
0x161: {  	v0 =	vadd.f32 v28, v0  }
0x162: {  	v33 =	vld [tilespmem:$0x80]  }
0x163: {  	v32 =	vld [tilespmem:$0x100];
	v0 =	vadd.f32 v31, v0  }
0x164: {  	v35 =	vld [tilespmem:$0x180];
	[tilespmem:s2], [sflag:$0x1] =	stream.strided.gather [hbm4b:s22+s3], $0x8000, s4, s3, $0x38  }
0x165: {  	_ =	swait.ge [sflag:s7], $0x8000;
	v0 =	vadd.f32 v34, v0  }
0x166: {  	[sflag:s7] =	ssyncset.done $0x0  }
0x167: {  	[sflag:s7] =	ssyncadd.s32 $0xFFFF8000;
	v0 =	vadd.f32 v33, v0  }
0x168: {  	v38 =	vld [tilespmem:$0x8000]  }
0x169: {  	v0 =	vadd.f32 v32, v0  }
0x16a: {  	v37 =	vld [tilespmem:$0x8080]  }
0x16b: {  	v36 =	vld [tilespmem:$0x8100];
	v0 =	vadd.f32 v35, v0  }
0x16c: {  	v39 =	vld [tilespmem:$0x8180];
	[tilespmem:s5], [sflag:$0x2] =	stream.strided.gather [hbm4b:s23+s3], $0x8000, s4, s3, $0x38  }
0x16d: {  	_ =	swait.ge [sflag:s6], $0x8000;
	v0 =	vadd.f32 v38, v0  }
0x16e: {  	[sflag:s6] =	ssyncset.done $0x0  }
0x16f: {  	[sflag:s6] =	ssyncadd.s32 $0xFFFF8000;
	v0 =	vadd.f32 v37, v0  }
0x170: {  	v42 =	vld [tilespmem:$0x0]  }
0x171: {  	v0 =	vadd.f32 v36, v0  }
0x172: {  	v41 =	vld [tilespmem:$0x80]  }
0x173: {  	v40 =	vld [tilespmem:$0x100];
	v0 =	vadd.f32 v39, v0  }
0x174: {  	v43 =	vld [tilespmem:$0x180];
	[tilespmem:s2], [sflag:$0x1] =	stream.strided.gather [hbm4b:s24+s3], $0x8000, s4, s3, $0x38  }
0x175: {  	_ =	swait.ge [sflag:s7], $0x8000;
	v0 =	vadd.f32 v42, v0  }
0x176: {  	[sflag:s7] =	ssyncset.done $0x0  }
0x177: {  	[sflag:s7] =	ssyncadd.s32 $0xFFFF8000;
	v0 =	vadd.f32 v41, v0  }
0x178: {  	v46 =	vld [tilespmem:$0x8000]  }
0x179: {  	v0 =	vadd.f32 v40, v0  }
0x17a: {  	v45 =	vld [tilespmem:$0x8080]  }
0x17b: {  	v44 =	vld [tilespmem:$0x8100];
	v0 =	vadd.f32 v43, v0  }
0x17c: {  	v47 =	vld [tilespmem:$0x8180];
	[tilespmem:s5], [sflag:$0x2] =	stream.strided.gather [hbm4b:s25+s3], $0x8000, s4, s3, $0x38  }
0x17d: {  	_ =	swait.ge [sflag:s6], $0x8000;
	v0 =	vadd.f32 v46, v0  }
0x17e: {  	[sflag:s6] =	ssyncset.done $0x0  }
0x17f: {  	[sflag:s6] =	ssyncadd.s32 $0xFFFF8000;
	v0 =	vadd.f32 v45, v0  }
0x180: {  	v48 =	vld [tilespmem:$0x0]  }
0x181: {  	v0 =	vadd.f32 v44, v0  }
0x182: {  	v49 =	vld [tilespmem:$0x80]  }
0x183: {  	v50 =	vld [tilespmem:$0x100];
	v0 =	vadd.f32 v47, v0  }
0x184: {  	v51 =	vld [tilespmem:$0x180];
	[tilespmem:s2], [sflag:$0x1] =	stream.strided.gather [hbm4b:s26+s3], $0x8000, s4, s3, $0x38  }
0x185: {  	_ =	swait.ge [sflag:s7], $0x8000;
	v0 =	vadd.f32 v48, v0  }
0x186: {  	[sflag:s7] =	ssyncset.done $0x0  }
0x187: {  	[sflag:s7] =	ssyncadd.s32 $0xFFFF8000;
	v0 =	vadd.f32 v49, v0  }
0x188: {  	v54 =	vld [tilespmem:$0x8000]  }
0x189: {  	v0 =	vadd.f32 v50, v0  }
0x18a: {  	v53 =	vld [tilespmem:$0x8080]  }
0x18b: {  	v52 =	vld [tilespmem:$0x8100];
	v0 =	vadd.f32 v51, v0  }
0x18c: {  	v55 =	vld [tilespmem:$0x8180];
	[tilespmem:s5], [sflag:$0x2] =	stream.strided.gather [hbm4b:s28+s3], $0x8000, s4, s3, $0x38  }
0x18d: {  	_ =	swait.ge [sflag:s6], $0x8000;
	v0 =	vadd.f32 v54, v0  }
0x18e: {  	[sflag:s6] =	ssyncset.done $0x0  }
0x18f: {  	[sflag:s6] =	ssyncadd.s32 $0xFFFF8000;
	v0 =	vadd.f32 v53, v0  }
0x190: {  	v56 =	vld [tilespmem:$0x0]  }
0x191: {  	v0 =	vadd.f32 v52, v0  }
0x192: {  	v57 =	vld [tilespmem:$0x80]  }
0x193: {  	v0 =	vadd.f32 v55, v0  }
0x194: {  	v58 =	vld [tilespmem:$0x100]  }
0x195: {  	v59 =	vld [tilespmem:$0x180];
	_ =	swait.ge [sflag:s7], $0x8000;
	v0 =	vadd.f32 v56, v0  }
0x196: {  	[sflag:s7] =	ssyncset.done $0x0  }
0x197: {  	[sflag:s7] =	ssyncadd.s32 $0xFFFF8000;
	v0 =	vadd.f32 v57, v0  }
0x198: {  	v60 =	vld [tilespmem:$0x8000]  }
0x199: {  	v0 =	vadd.f32 v58, v0  }
0x19a: {  	v61 =	vld [tilespmem:$0x8080]  }
0x19b: {  	v0 =	vadd.f32 v59, v0  }
0x19c: {  	v62 =	vld [tilespmem:$0x8100]  }
0x19d: {  	v0 =	vadd.f32 v60, v0  }
0x19e: {  	v63 =	vld [tilespmem:$0x8180]  }
0x19f: {  	v0 =	vadd.f32 v61, v0;
	_ =	sdelay $0x1  }
0x1a0: {  	p0 =	sne.s32 s1, $0x1;
	v0 =	vadd.f32 v62, v0  }
.Ltmp1:
0x1a1: {  	_ = 	snop;
	(pc) =	sbr.rel @p0 .LBB2_1-.Ltmp1, $3  }
0x1a2: {  	v0 =	vadd.f32 v63, v0;
	_ =	sdelay $0x1  }
0x1a3: {  	s1 =	sadd.s32 $0xFFFFFFFF, s1;
	s30 =	simm.s32 $0x10000;
	[tilespmem:$0x10000] =	vst v0  }
0x1a4: {  	[hbm4b:s29+s2] =	stream.linear.scatter [tilespmem:s30], [sflag:$0x3], $0x10, $0x38;
	[tilespmem:$0x10080] =	vst v63  }
.LBB2_2:
0x1a5: {  	_ =	swait.ge [sflag:s31], $0x10  }
0x1a6: {  	[sflag:s31] =	ssyncset.done $0x0  }
0x1a7: {  	[sflag:s31] =	ssyncadd.s32 $0xFFFFFFF0  }
0x1a8: {  	_ =	sfence.sel $0x180000  }
0x1a9: {  	[bflag:$0x0] =	sbarrier.arrive $0xFFFF  }
0x1aa: {  	_ =	strace $0x90000047  }
0x1ab: {  	s0 =	stileid.u32;
	[bflag:$0x2] =	sbarrier.arrive $0xFFFF  }
0x1ac: {  	p0 =	sne.s32 s0, $0x0;
	s0 =	rddreg [dreg:$0x2]  }
0x1ad: {  	s0 =	sadd.s32 @!p0 $0x100000, s0  }
0x1ae: {  	[sflag:s0] =	ssyncadd.tile.s32 @!p0 $0x1;
	_ =	shalt  }
.Lfunc_end2:
_tile_overlayer_lowered:
.L_overlay_start_2:
0x1af: {  	(tag) =	ssettag $0x2  }
0x1b0: {  	s0 =	rddreg [dreg:$0x0];
	s2 =	stileid.u32  }
0x1b1: {  	s1 =	rddreg [dreg:$0x1];
	p0 =	sne.s32 s2, $0x0  }
0x1b2: {  	s3 =	rddreg [dreg:$0x2];
	[bflag:$0x3] =	sbarrier.arrive $0xFFFF;
	s2 =	simm.s32 @!p0 $0x1C03  }
0x1b3: {  	[timem:s3], [sflag:s2] =	dma.local @!p0 [hbm:s0], s1  }
0x1b4: {  	s0 =	simm.s32 @!p0 $0x3  }
0x1b5: {  	_ =	swait.ge @!p0 [sflag:s0], s1  }
0x1b6: {  	s1 =	ssub.s32 @!p0 $0x0, s1;
	[sflag:s0] =	ssyncset.done @!p0 $0x0  }
0x1b7: {  	[sflag:s0] =	ssyncadd.s32 @!p0 s1  }
0x1b8: {  	[bflag:$0x3] =	sbarrier.arrive $0xFFFF  }
0x1b9: {  	_ =	shalt  }

</sc_bundles>
